<compile_context>
chip_gen: v7x
topology: tpu7x:2x2x1
jax: 0.10.2.dev20260603
libtpu: 0.0.44.dev20260713+nightly
codegen_flags: <defaults>
</compile_context>

<pallas_src>
import functools
import jax
import jax.numpy as jnp
from jax import lax
from jax.experimental import pallas as pl
from jax.experimental.pallas import tpu as pltpu
from jax.experimental.pallas import tpu_sc as plsc

def _make(B, T, D):
    mesh = plsc.VectorSubcoreMesh(core_axis_name="c", subcore_axis_name="s")
    @functools.partial(
        pl.kernel, mesh=mesh,
        out_type=jax.ShapeDtypeStruct((B, 1, D), jnp.float32),
        scratch_types=[pltpu.VMEM((1, 1, D), jnp.float32)],
    )
    def k(lens_hbm, x_hbm, out_hbm, accw):
        c = lax.axis_index("c")
        s = lax.axis_index("s")
        zero = jnp.zeros((16,), jnp.float32)
        for kk in range(D // 16):
            accw[0, 0, pl.ds(kk * 16, 16)] = zero
        @pl.when(s < 4)
        def _w():
            pltpu.sync_copy(accw, out_hbm.at[pl.ds(4 * c + s, 1)])
    return k

def kernel(x, lens):
    B, T, D = x.shape
    return _make(B, T, D)(lens, x).reshape(B, D)

# --- scband reference (transcript-rebuilt; emitter-appended) ---
"""Pipeline reference for scband-avg-pooling-test-60627758350990 (READ-ONLY COPY).

The authoritative reference and input builder live on the scoring server;
editing this copy changes nothing except your own understanding.
"""

import jax, jax.numpy as jnp
import numpy as np


def setup_inputs(seed: int = 0) -> dict:
    key = jax.random.key(seed)
    k1, k2 = jax.random.split(key)
    x = jax.random.normal(k1, (8, 2048, 1024), dtype=jnp.float32)
    # lens are fractional lengths in [0, 1); floor(lens * T) rows are averaged
    lens = jax.random.uniform(k2, (8,), dtype=jnp.float32)
    return {"x": x, "lens": lens}


def reference(x, lens):
    # Faithful vectorized translation of the per-row python loop:
    #   actual_size = floor(lens[i] * T); x_pooled[i] = mean(x[i][:actual_size], dim=-2)
    B, T, D = x.shape
    actual = jnp.floor(lens * T)  # float-valued integer counts, matches torch.floor(...).int()
    idx = jnp.arange(T, dtype=actual.dtype)
    mask = (idx[None, :] < actual[:, None]).astype(x.dtype)  # [B, T]
    s = jnp.sum(x * mask[:, :, None], axis=1)  # [B, D] sum over the first actual rows
    x_pooled = s / actual[:, None]  # mean == sum / count (NaN if count==0, same as torch.mean of empty)
    return x_pooled

if __name__ == "__main__":
    import jax
    _d = setup_inputs()
    print(jax.jit(kernel)(*tuple(_d.values())))

</pallas_src>

<mosaic_0001>
#map = affine_map<(d0, d1) -> (0)>
#map1 = affine_map<(d0, d1) -> (0, 0, 0)>
module attributes {stable_mosaic.version = 14 : i64} {
  func.func @k(%arg0: i32, %arg1: i32, %arg2: memref<8xf32, #tpu.memory_space<hbm>>, %arg3: memref<8x2048x1024xf32, #tpu.memory_space<hbm>>, %arg4: memref<8x1x1024xf32, #tpu.memory_space<hbm>>, %arg5: memref<1x1x1024xf32, #tpu.memory_space<vmem>>) attributes {dimension_semantics = [#tpu.dimension_semantics<core_parallel>, #tpu.dimension_semantics<subcore_parallel>], iteration_bounds = array<i64: 2, 16>, scalar_prefetch = 0 : i64, scratch_operands = 1 : i64, tpu.core_type = #tpu.core_type<sc_vector_subcore>, window_params = [{transform_indices = #map}, {transform_indices = #map1}, {transform_indices = #map1}]} {
    %broadcast_in_dim3A = arith.constant 0.000000e+00 : f32
    %broadcast_in_dim3A_0 = vector.broadcast %broadcast_in_dim3A : f32 to vector<16xf32>
    %swap3A = arith.constant 0 : i32
    %swap3A_1 = arith.constant 0 : i32
    %swap3A_2 = arith.index_cast %swap3A : i32 to index
    %swap3A_3 = arith.index_cast %swap3A_1 : i32 to index
    %swap3A_4 = arith.constant 0 : index
    %swap3A_5 = tpu.vector_load %arg5[%swap3A_2, %swap3A_3, %swap3A_4] {strides = array<i32>} : memref<1x1x1024xf32, #tpu.memory_space<vmem>>, vector<1x1x16xf32>,
    %swap3A_6 = vector.shape_cast %swap3A_5 : vector<1x1x16xf32> to vector<16xf32>
    %swap3A_7 = vector.shape_cast %broadcast_in_dim3A_0 : vector<16xf32> to vector<1x1x16xf32>
    tpu.vector_store %arg5[%swap3A_2, %swap3A_3, %swap3A_4], %swap3A_7 {strides = array<i32>} : memref<1x1x1024xf32, #tpu.memory_space<vmem>>, vector<1x1x16xf32>,
    %swap3A_8 = arith.constant 0 : i32
    %swap3A_9 = arith.constant 0 : i32
    %swap3A_10 = arith.index_cast %swap3A_8 : i32 to index
    %swap3A_11 = arith.index_cast %swap3A_9 : i32 to index
    %swap3A_12 = arith.constant 16 : index
    %swap3A_13 = tpu.vector_load %arg5[%swap3A_10, %swap3A_11, %swap3A_12] {strides = array<i32>} : memref<1x1x1024xf32, #tpu.memory_space<vmem>>, vector<1x1x16xf32>,
    %swap3A_14 = vector.shape_cast %swap3A_13 : vector<1x1x16xf32> to vector<16xf32>
    %swap3A_15 = vector.shape_cast %broadcast_in_dim3A_0 : vector<16xf32> to vector<1x1x16xf32>
    tpu.vector_store %arg5[%swap3A_10, %swap3A_11, %swap3A_12], %swap3A_15 {strides = array<i32>} : memref<1x1x1024xf32, #tpu.memory_space<vmem>>, vector<1x1x16xf32>,
    %swap3A_16 = arith.constant 0 : i32
    %swap3A_17 = arith.constant 0 : i32
    %swap3A_18 = arith.index_cast %swap3A_16 : i32 to index
    %swap3A_19 = arith.index_cast %swap3A_17 : i32 to index
    %swap3A_20 = arith.constant 32 : index
    %swap3A_21 = tpu.vector_load %arg5[%swap3A_18, %swap3A_19, %swap3A_20] {strides = array<i32>} : memref<1x1x1024xf32, #tpu.memory_space<vmem>>, vector<1x1x16xf32>,
    %swap3A_22 = vector.shape_cast %swap3A_21 : vector<1x1x16xf32> to vector<16xf32>
    %swap3A_23 = vector.shape_cast %broadcast_in_dim3A_0 : vector<16xf32> to vector<1x1x16xf32>
    tpu.vector_store %arg5[%swap3A_18, %swap3A_19, %swap3A_20], %swap3A_23 {strides = array<i32>} : memref<1x1x1024xf32, #tpu.memory_space<vmem>>, vector<1x1x16xf32>,
    %swap3A_24 = arith.constant 0 : i32
    %swap3A_25 = arith.constant 0 : i32
    %swap3A_26 = arith.index_cast %swap3A_24 : i32 to index
    %swap3A_27 = arith.index_cast %swap3A_25 : i32 to index
    %swap3A_28 = arith.constant 48 : index
    %swap3A_29 = tpu.vector_load %arg5[%swap3A_26, %swap3A_27, %swap3A_28] {strides = array<i32>} : memref<1x1x1024xf32, #tpu.memory_space<vmem>>, vector<1x1x16xf32>,
    %swap3A_30 = vector.shape_cast %swap3A_29 : vector<1x1x16xf32> to vector<16xf32>
    %swap3A_31 = vector.shape_cast %broadcast_in_dim3A_0 : vector<16xf32> to vector<1x1x16xf32>
    tpu.vector_store %arg5[%swap3A_26, %swap3A_27, %swap3A_28], %swap3A_31 {strides = array<i32>} : memref<1x1x1024xf32, #tpu.memory_space<vmem>>, vector<1x1x16xf32>,
    %swap3A_32 = arith.constant 0 : i32
    %swap3A_33 = arith.constant 0 : i32
    %swap3A_34 = arith.index_cast %swap3A_32 : i32 to index
    %swap3A_35 = arith.index_cast %swap3A_33 : i32 to index
    %swap3A_36 = arith.constant 64 : index
    %swap3A_37 = tpu.vector_load %arg5[%swap3A_34, %swap3A_35, %swap3A_36] {strides = array<i32>} : memref<1x1x1024xf32, #tpu.memory_space<vmem>>, vector<1x1x16xf32>,
    %swap3A_38 = vector.shape_cast %swap3A_37 : vector<1x1x16xf32> to vector<16xf32>
    %swap3A_39 = vector.shape_cast %broadcast_in_dim3A_0 : vector<16xf32> to vector<1x1x16xf32>
    tpu.vector_store %arg5[%swap3A_34, %swap3A_35, %swap3A_36], %swap3A_39 {strides = array<i32>} : memref<1x1x1024xf32, #tpu.memory_space<vmem>>, vector<1x1x16xf32>,
    %swap3A_40 = arith.constant 0 : i32
    %swap3A_41 = arith.constant 0 : i32
    %swap3A_42 = arith.index_cast %swap3A_40 : i32 to index
    %swap3A_43 = arith.index_cast %swap3A_41 : i32 to index
    %swap3A_44 = arith.constant 80 : index
    %swap3A_45 = tpu.vector_load %arg5[%swap3A_42, %swap3A_43, %swap3A_44] {strides = array<i32>} : memref<1x1x1024xf32, #tpu.memory_space<vmem>>, vector<1x1x16xf32>,
    %swap3A_46 = vector.shape_cast %swap3A_45 : vector<1x1x16xf32> to vector<16xf32>
    %swap3A_47 = vector.shape_cast %broadcast_in_dim3A_0 : vector<16xf32> to vector<1x1x16xf32>
    tpu.vector_store %arg5[%swap3A_42, %swap3A_43, %swap3A_44], %swap3A_47 {strides = array<i32>} : memref<1x1x1024xf32, #tpu.memory_space<vmem>>, vector<1x1x16xf32>,
    %swap3A_48 = arith.constant 0 : i32
    %swap3A_49 = arith.constant 0 : i32
    %swap3A_50 = arith.index_cast %swap3A_48 : i32 to index
    %swap3A_51 = arith.index_cast %swap3A_49 : i32 to index
    %swap3A_52 = arith.constant 96 : index
    %swap3A_53 = tpu.vector_load %arg5[%swap3A_50, %swap3A_51, %swap3A_52] {strides = array<i32>} : memref<1x1x1024xf32, #tpu.memory_space<vmem>>, vector<1x1x16xf32>,
    %swap3A_54 = vector.shape_cast %swap3A_53 : vector<1x1x16xf32> to vector<16xf32>
    %swap3A_55 = vector.shape_cast %broadcast_in_dim3A_0 : vector<16xf32> to vector<1x1x16xf32>
    tpu.vector_store %arg5[%swap3A_50, %swap3A_51, %swap3A_52], %swap3A_55 {strides = array<i32>} : memref<1x1x1024xf32, #tpu.memory_space<vmem>>, vector<1x1x16xf32>,
    %swap3A_56 = arith.constant 0 : i32
    %swap3A_57 = arith.constant 0 : i32
    %swap3A_58 = arith.index_cast %swap3A_56 : i32 to index
    %swap3A_59 = arith.index_cast %swap3A_57 : i32 to index
    %swap3A_60 = arith.constant 112 : index
    %swap3A_61 = tpu.vector_load %arg5[%swap3A_58, %swap3A_59, %swap3A_60] {strides = array<i32>} : memref<1x1x1024xf32, #tpu.memory_space<vmem>>, vector<1x1x16xf32>,
    %swap3A_62 = vector.shape_cast %swap3A_61 : vector<1x1x16xf32> to vector<16xf32>
    %swap3A_63 = vector.shape_cast %broadcast_in_dim3A_0 : vector<16xf32> to vector<1x1x16xf32>
    tpu.vector_store %arg5[%swap3A_58, %swap3A_59, %swap3A_60], %swap3A_63 {strides = array<i32>} : memref<1x1x1024xf32, #tpu.memory_space<vmem>>, vector<1x1x16xf32>,
    %swap3A_64 = arith.constant 0 : i32
    %swap3A_65 = arith.constant 0 : i32
    %swap3A_66 = arith.index_cast %swap3A_64 : i32 to index
    %swap3A_67 = arith.index_cast %swap3A_65 : i32 to index
    %swap3A_68 = arith.constant 128 : index
    %swap3A_69 = tpu.vector_load %arg5[%swap3A_66, %swap3A_67, %swap3A_68] {strides = array<i32>} : memref<1x1x1024xf32, #tpu.memory_space<vmem>>, vector<1x1x16xf32>,
    %swap3A_70 = vector.shape_cast %swap3A_69 : vector<1x1x16xf32> to vector<16xf32>
    %swap3A_71 = vector.shape_cast %broadcast_in_dim3A_0 : vector<16xf32> to vector<1x1x16xf32>
    tpu.vector_store %arg5[%swap3A_66, %swap3A_67, %swap3A_68], %swap3A_71 {strides = array<i32>} : memref<1x1x1024xf32, #tpu.memory_space<vmem>>, vector<1x1x16xf32>,
    %swap3A_72 = arith.constant 0 : i32
    %swap3A_73 = arith.constant 0 : i32
    %swap3A_74 = arith.index_cast %swap3A_72 : i32 to index
    %swap3A_75 = arith.index_cast %swap3A_73 : i32 to index
    %swap3A_76 = arith.constant 144 : index
    %swap3A_77 = tpu.vector_load %arg5[%swap3A_74, %swap3A_75, %swap3A_76] {strides = array<i32>} : memref<1x1x1024xf32, #tpu.memory_space<vmem>>, vector<1x1x16xf32>,
    %swap3A_78 = vector.shape_cast %swap3A_77 : vector<1x1x16xf32> to vector<16xf32>
    %swap3A_79 = vector.shape_cast %broadcast_in_dim3A_0 : vector<16xf32> to vector<1x1x16xf32>
    tpu.vector_store %arg5[%swap3A_74, %swap3A_75, %swap3A_76], %swap3A_79 {strides = array<i32>} : memref<1x1x1024xf32, #tpu.memory_space<vmem>>, vector<1x1x16xf32>,
    %swap3A_80 = arith.constant 0 : i32
    %swap3A_81 = arith.constant 0 : i32
    %swap3A_82 = arith.index_cast %swap3A_80 : i32 to index
    %swap3A_83 = arith.index_cast %swap3A_81 : i32 to index
    %swap3A_84 = arith.constant 160 : index
    %swap3A_85 = tpu.vector_load %arg5[%swap3A_82, %swap3A_83, %swap3A_84] {strides = array<i32>} : memref<1x1x1024xf32, #tpu.memory_space<vmem>>, vector<1x1x16xf32>,
    %swap3A_86 = vector.shape_cast %swap3A_85 : vector<1x1x16xf32> to vector<16xf32>
    %swap3A_87 = vector.shape_cast %broadcast_in_dim3A_0 : vector<16xf32> to vector<1x1x16xf32>
    tpu.vector_store %arg5[%swap3A_82, %swap3A_83, %swap3A_84], %swap3A_87 {strides = array<i32>} : memref<1x1x1024xf32, #tpu.memory_space<vmem>>, vector<1x1x16xf32>,
    %swap3A_88 = arith.constant 0 : i32
    %swap3A_89 = arith.constant 0 : i32
    %swap3A_90 = arith.index_cast %swap3A_88 : i32 to index
    %swap3A_91 = arith.index_cast %swap3A_89 : i32 to index
    %swap3A_92 = arith.constant 176 : index
    %swap3A_93 = tpu.vector_load %arg5[%swap3A_90, %swap3A_91, %swap3A_92] {strides = array<i32>} : memref<1x1x1024xf32, #tpu.memory_space<vmem>>, vector<1x1x16xf32>,
    %swap3A_94 = vector.shape_cast %swap3A_93 : vector<1x1x16xf32> to vector<16xf32>
    %swap3A_95 = vector.shape_cast %broadcast_in_dim3A_0 : vector<16xf32> to vector<1x1x16xf32>
    tpu.vector_store %arg5[%swap3A_90, %swap3A_91, %swap3A_92], %swap3A_95 {strides = array<i32>} : memref<1x1x1024xf32, #tpu.memory_space<vmem>>, vector<1x1x16xf32>,
    %swap3A_96 = arith.constant 0 : i32
    %swap3A_97 = arith.constant 0 : i32
    %swap3A_98 = arith.index_cast %swap3A_96 : i32 to index
    %swap3A_99 = arith.index_cast %swap3A_97 : i32 to index
    %swap3A_100 = arith.constant 192 : index
    %swap3A_101 = tpu.vector_load %arg5[%swap3A_98, %swap3A_99, %swap3A_100] {strides = array<i32>} : memref<1x1x1024xf32, #tpu.memory_space<vmem>>, vector<1x1x16xf32>,
    %swap3A_102 = vector.shape_cast %swap3A_101 : vector<1x1x16xf32> to vector<16xf32>
    %swap3A_103 = vector.shape_cast %broadcast_in_dim3A_0 : vector<16xf32> to vector<1x1x16xf32>
    tpu.vector_store %arg5[%swap3A_98, %swap3A_99, %swap3A_100], %swap3A_103 {strides = array<i32>} : memref<1x1x1024xf32, #tpu.memory_space<vmem>>, vector<1x1x16xf32>,
    %swap3A_104 = arith.constant 0 : i32
    %swap3A_105 = arith.constant 0 : i32
    %swap3A_106 = arith.index_cast %swap3A_104 : i32 to index
    %swap3A_107 = arith.index_cast %swap3A_105 : i32 to index
    %swap3A_108 = arith.constant 208 : index
    %swap3A_109 = tpu.vector_load %arg5[%swap3A_106, %swap3A_107, %swap3A_108] {strides = array<i32>} : memref<1x1x1024xf32, #tpu.memory_space<vmem>>, vector<1x1x16xf32>,
    %swap3A_110 = vector.shape_cast %swap3A_109 : vector<1x1x16xf32> to vector<16xf32>
    %swap3A_111 = vector.shape_cast %broadcast_in_dim3A_0 : vector<16xf32> to vector<1x1x16xf32>
    tpu.vector_store %arg5[%swap3A_106, %swap3A_107, %swap3A_108], %swap3A_111 {strides = array<i32>} : memref<1x1x1024xf32, #tpu.memory_space<vmem>>, vector<1x1x16xf32>,
    %swap3A_112 = arith.constant 0 : i32
    %swap3A_113 = arith.constant 0 : i32
    %swap3A_114 = arith.index_cast %swap3A_112 : i32 to index
    %swap3A_115 = arith.index_cast %swap3A_113 : i32 to index
    %swap3A_116 = arith.constant 224 : index
    %swap3A_117 = tpu.vector_load %arg5[%swap3A_114, %swap3A_115, %swap3A_116] {strides = array<i32>} : memref<1x1x1024xf32, #tpu.memory_space<vmem>>, vector<1x1x16xf32>,
    %swap3A_118 = vector.shape_cast %swap3A_117 : vector<1x1x16xf32> to vector<16xf32>
    %swap3A_119 = vector.shape_cast %broadcast_in_dim3A_0 : vector<16xf32> to vector<1x1x16xf32>
    tpu.vector_store %arg5[%swap3A_114, %swap3A_115, %swap3A_116], %swap3A_119 {strides = array<i32>} : memref<1x1x1024xf32, #tpu.memory_space<vmem>>, vector<1x1x16xf32>,
    %swap3A_120 = arith.constant 0 : i32
    %swap3A_121 = arith.constant 0 : i32
    %swap3A_122 = arith.index_cast %swap3A_120 : i32 to index
    %swap3A_123 = arith.index_cast %swap3A_121 : i32 to index
    %swap3A_124 = arith.constant 240 : index
    %swap3A_125 = tpu.vector_load %arg5[%swap3A_122, %swap3A_123, %swap3A_124] {strides = array<i32>} : memref<1x1x1024xf32, #tpu.memory_space<vmem>>, vector<1x1x16xf32>,
    %swap3A_126 = vector.shape_cast %swap3A_125 : vector<1x1x16xf32> to vector<16xf32>
    %swap3A_127 = vector.shape_cast %broadcast_in_dim3A_0 : vector<16xf32> to vector<1x1x16xf32>
    tpu.vector_store %arg5[%swap3A_122, %swap3A_123, %swap3A_124], %swap3A_127 {strides = array<i32>} : memref<1x1x1024xf32, #tpu.memory_space<vmem>>, vector<1x1x16xf32>,
    %swap3A_128 = arith.constant 0 : i32
    %swap3A_129 = arith.constant 0 : i32
    %swap3A_130 = arith.index_cast %swap3A_128 : i32 to index
    %swap3A_131 = arith.index_cast %swap3A_129 : i32 to index
    %swap3A_132 = arith.constant 256 : index
    %swap3A_133 = tpu.vector_load %arg5[%swap3A_130, %swap3A_131, %swap3A_132] {strides = array<i32>} : memref<1x1x1024xf32, #tpu.memory_space<vmem>>, vector<1x1x16xf32>,
    %swap3A_134 = vector.shape_cast %swap3A_133 : vector<1x1x16xf32> to vector<16xf32>
    %swap3A_135 = vector.shape_cast %broadcast_in_dim3A_0 : vector<16xf32> to vector<1x1x16xf32>
    tpu.vector_store %arg5[%swap3A_130, %swap3A_131, %swap3A_132], %swap3A_135 {strides = array<i32>} : memref<1x1x1024xf32, #tpu.memory_space<vmem>>, vector<1x1x16xf32>,
    %swap3A_136 = arith.constant 0 : i32
    %swap3A_137 = arith.constant 0 : i32
    %swap3A_138 = arith.index_cast %swap3A_136 : i32 to index
    %swap3A_139 = arith.index_cast %swap3A_137 : i32 to index
    %swap3A_140 = arith.constant 272 : index
    %swap3A_141 = tpu.vector_load %arg5[%swap3A_138, %swap3A_139, %swap3A_140] {strides = array<i32>} : memref<1x1x1024xf32, #tpu.memory_space<vmem>>, vector<1x1x16xf32>,
    %swap3A_142 = vector.shape_cast %swap3A_141 : vector<1x1x16xf32> to vector<16xf32>
    %swap3A_143 = vector.shape_cast %broadcast_in_dim3A_0 : vector<16xf32> to vector<1x1x16xf32>
    tpu.vector_store %arg5[%swap3A_138, %swap3A_139, %swap3A_140], %swap3A_143 {strides = array<i32>} : memref<1x1x1024xf32, #tpu.memory_space<vmem>>, vector<1x1x16xf32>,
    %swap3A_144 = arith.constant 0 : i32
    %swap3A_145 = arith.constant 0 : i32
    %swap3A_146 = arith.index_cast %swap3A_144 : i32 to index
    %swap3A_147 = arith.index_cast %swap3A_145 : i32 to index
    %swap3A_148 = arith.constant 288 : index
    %swap3A_149 = tpu.vector_load %arg5[%swap3A_146, %swap3A_147, %swap3A_148] {strides = array<i32>} : memref<1x1x1024xf32, #tpu.memory_space<vmem>>, vector<1x1x16xf32>,
    %swap3A_150 = vector.shape_cast %swap3A_149 : vector<1x1x16xf32> to vector<16xf32>
    %swap3A_151 = vector.shape_cast %broadcast_in_dim3A_0 : vector<16xf32> to vector<1x1x16xf32>
    tpu.vector_store %arg5[%swap3A_146, %swap3A_147, %swap3A_148], %swap3A_151 {strides = array<i32>} : memref<1x1x1024xf32, #tpu.memory_space<vmem>>, vector<1x1x16xf32>,
    %swap3A_152 = arith.constant 0 : i32
    %swap3A_153 = arith.constant 0 : i32
    %swap3A_154 = arith.index_cast %swap3A_152 : i32 to index
    %swap3A_155 = arith.index_cast %swap3A_153 : i32 to index
    %swap3A_156 = arith.constant 304 : index
    %swap3A_157 = tpu.vector_load %arg5[%swap3A_154, %swap3A_155, %swap3A_156] {strides = array<i32>} : memref<1x1x1024xf32, #tpu.memory_space<vmem>>, vector<1x1x16xf32>,
    %swap3A_158 = vector.shape_cast %swap3A_157 : vector<1x1x16xf32> to vector<16xf32>
    %swap3A_159 = vector.shape_cast %broadcast_in_dim3A_0 : vector<16xf32> to vector<1x1x16xf32>
    tpu.vector_store %arg5[%swap3A_154, %swap3A_155, %swap3A_156], %swap3A_159 {strides = array<i32>} : memref<1x1x1024xf32, #tpu.memory_space<vmem>>, vector<1x1x16xf32>,
    %swap3A_160 = arith.constant 0 : i32
    %swap3A_161 = arith.constant 0 : i32
    %swap3A_162 = arith.index_cast %swap3A_160 : i32 to index
    %swap3A_163 = arith.index_cast %swap3A_161 : i32 to index
    %swap3A_164 = arith.constant 320 : index
    %swap3A_165 = tpu.vector_load %arg5[%swap3A_162, %swap3A_163, %swap3A_164] {strides = array<i32>} : memref<1x1x1024xf32, #tpu.memory_space<vmem>>, vector<1x1x16xf32>,
    %swap3A_166 = vector.shape_cast %swap3A_165 : vector<1x1x16xf32> to vector<16xf32>
    %swap3A_167 = vector.shape_cast %broadcast_in_dim3A_0 : vector<16xf32> to vector<1x1x16xf32>
    tpu.vector_store %arg5[%swap3A_162, %swap3A_163, %swap3A_164], %swap3A_167 {strides = array<i32>} : memref<1x1x1024xf32, #tpu.memory_space<vmem>>, vector<1x1x16xf32>,
    %swap3A_168 = arith.constant 0 : i32
    %swap3A_169 = arith.constant 0 : i32
    %swap3A_170 = arith.index_cast %swap3A_168 : i32 to index
    %swap3A_171 = arith.index_cast %swap3A_169 : i32 to index
    %swap3A_172 = arith.constant 336 : index
    %swap3A_173 = tpu.vector_load %arg5[%swap3A_170, %swap3A_171, %swap3A_172] {strides = array<i32>} : memref<1x1x1024xf32, #tpu.memory_space<vmem>>, vector<1x1x16xf32>,
    %swap3A_174 = vector.shape_cast %swap3A_173 : vector<1x1x16xf32> to vector<16xf32>
    %swap3A_175 = vector.shape_cast %broadcast_in_dim3A_0 : vector<16xf32> to vector<1x1x16xf32>
    tpu.vector_store %arg5[%swap3A_170, %swap3A_171, %swap3A_172], %swap3A_175 {strides = array<i32>} : memref<1x1x1024xf32, #tpu.memory_space<vmem>>, vector<1x1x16xf32>,
    %swap3A_176 = arith.constant 0 : i32
    %swap3A_177 = arith.constant 0 : i32
    %swap3A_178 = arith.index_cast %swap3A_176 : i32 to index
    %swap3A_179 = arith.index_cast %swap3A_177 : i32 to index
    %swap3A_180 = arith.constant 352 : index
    %swap3A_181 = tpu.vector_load %arg5[%swap3A_178, %swap3A_179, %swap3A_180] {strides = array<i32>} : memref<1x1x1024xf32, #tpu.memory_space<vmem>>, vector<1x1x16xf32>,
    %swap3A_182 = vector.shape_cast %swap3A_181 : vector<1x1x16xf32> to vector<16xf32>
    %swap3A_183 = vector.shape_cast %broadcast_in_dim3A_0 : vector<16xf32> to vector<1x1x16xf32>
    tpu.vector_store %arg5[%swap3A_178, %swap3A_179, %swap3A_180], %swap3A_183 {strides = array<i32>} : memref<1x1x1024xf32, #tpu.memory_space<vmem>>, vector<1x1x16xf32>,
    %swap3A_184 = arith.constant 0 : i32
    %swap3A_185 = arith.constant 0 : i32
    %swap3A_186 = arith.index_cast %swap3A_184 : i32 to index
    %swap3A_187 = arith.index_cast %swap3A_185 : i32 to index
    %swap3A_188 = arith.constant 368 : index
    %swap3A_189 = tpu.vector_load %arg5[%swap3A_186, %swap3A_187, %swap3A_188] {strides = array<i32>} : memref<1x1x1024xf32, #tpu.memory_space<vmem>>, vector<1x1x16xf32>,
    %swap3A_190 = vector.shape_cast %swap3A_189 : vector<1x1x16xf32> to vector<16xf32>
    %swap3A_191 = vector.shape_cast %broadcast_in_dim3A_0 : vector<16xf32> to vector<1x1x16xf32>
    tpu.vector_store %arg5[%swap3A_186, %swap3A_187, %swap3A_188], %swap3A_191 {strides = array<i32>} : memref<1x1x1024xf32, #tpu.memory_space<vmem>>, vector<1x1x16xf32>,
    %swap3A_192 = arith.constant 0 : i32
    %swap3A_193 = arith.constant 0 : i32
    %swap3A_194 = arith.index_cast %swap3A_192 : i32 to index
    %swap3A_195 = arith.index_cast %swap3A_193 : i32 to index
    %swap3A_196 = arith.constant 384 : index
    %swap3A_197 = tpu.vector_load %arg5[%swap3A_194, %swap3A_195, %swap3A_196] {strides = array<i32>} : memref<1x1x1024xf32, #tpu.memory_space<vmem>>, vector<1x1x16xf32>,
    %swap3A_198 = vector.shape_cast %swap3A_197 : vector<1x1x16xf32> to vector<16xf32>
    %swap3A_199 = vector.shape_cast %broadcast_in_dim3A_0 : vector<16xf32> to vector<1x1x16xf32>
    tpu.vector_store %arg5[%swap3A_194, %swap3A_195, %swap3A_196], %swap3A_199 {strides = array<i32>} : memref<1x1x1024xf32, #tpu.memory_space<vmem>>, vector<1x1x16xf32>,
    %swap3A_200 = arith.constant 0 : i32
    %swap3A_201 = arith.constant 0 : i32
    %swap3A_202 = arith.index_cast %swap3A_200 : i32 to index
    %swap3A_203 = arith.index_cast %swap3A_201 : i32 to index
    %swap3A_204 = arith.constant 400 : index
    %swap3A_205 = tpu.vector_load %arg5[%swap3A_202, %swap3A_203, %swap3A_204] {strides = array<i32>} : memref<1x1x1024xf32, #tpu.memory_space<vmem>>, vector<1x1x16xf32>,
    %swap3A_206 = vector.shape_cast %swap3A_205 : vector<1x1x16xf32> to vector<16xf32>
    %swap3A_207 = vector.shape_cast %broadcast_in_dim3A_0 : vector<16xf32> to vector<1x1x16xf32>
    tpu.vector_store %arg5[%swap3A_202, %swap3A_203, %swap3A_204], %swap3A_207 {strides = array<i32>} : memref<1x1x1024xf32, #tpu.memory_space<vmem>>, vector<1x1x16xf32>,
    %swap3A_208 = arith.constant 0 : i32
    %swap3A_209 = arith.constant 0 : i32
    %swap3A_210 = arith.index_cast %swap3A_208 : i32 to index
    %swap3A_211 = arith.index_cast %swap3A_209 : i32 to index
    %swap3A_212 = arith.constant 416 : index
    %swap3A_213 = tpu.vector_load %arg5[%swap3A_210, %swap3A_211, %swap3A_212] {strides = array<i32>} : memref<1x1x1024xf32, #tpu.memory_space<vmem>>, vector<1x1x16xf32>,
    %swap3A_214 = vector.shape_cast %swap3A_213 : vector<1x1x16xf32> to vector<16xf32>
    %swap3A_215 = vector.shape_cast %broadcast_in_dim3A_0 : vector<16xf32> to vector<1x1x16xf32>
    tpu.vector_store %arg5[%swap3A_210, %swap3A_211, %swap3A_212], %swap3A_215 {strides = array<i32>} : memref<1x1x1024xf32, #tpu.memory_space<vmem>>, vector<1x1x16xf32>,
    %swap3A_216 = arith.constant 0 : i32
    %swap3A_217 = arith.constant 0 : i32
    %swap3A_218 = arith.index_cast %swap3A_216 : i32 to index
    %swap3A_219 = arith.index_cast %swap3A_217 : i32 to index
    %swap3A_220 = arith.constant 432 : index
    %swap3A_221 = tpu.vector_load %arg5[%swap3A_218, %swap3A_219, %swap3A_220] {strides = array<i32>} : memref<1x1x1024xf32, #tpu.memory_space<vmem>>, vector<1x1x16xf32>,
    %swap3A_222 = vector.shape_cast %swap3A_221 : vector<1x1x16xf32> to vector<16xf32>
    %swap3A_223 = vector.shape_cast %broadcast_in_dim3A_0 : vector<16xf32> to vector<1x1x16xf32>
    tpu.vector_store %arg5[%swap3A_218, %swap3A_219, %swap3A_220], %swap3A_223 {strides = array<i32>} : memref<1x1x1024xf32, #tpu.memory_space<vmem>>, vector<1x1x16xf32>,
    %swap3A_224 = arith.constant 0 : i32
    %swap3A_225 = arith.constant 0 : i32
    %swap3A_226 = arith.index_cast %swap3A_224 : i32 to index
    %swap3A_227 = arith.index_cast %swap3A_225 : i32 to index
    %swap3A_228 = arith.constant 448 : index
    %swap3A_229 = tpu.vector_load %arg5[%swap3A_226, %swap3A_227, %swap3A_228] {strides = array<i32>} : memref<1x1x1024xf32, #tpu.memory_space<vmem>>, vector<1x1x16xf32>,
    %swap3A_230 = vector.shape_cast %swap3A_229 : vector<1x1x16xf32> to vector<16xf32>
    %swap3A_231 = vector.shape_cast %broadcast_in_dim3A_0 : vector<16xf32> to vector<1x1x16xf32>
    tpu.vector_store %arg5[%swap3A_226, %swap3A_227, %swap3A_228], %swap3A_231 {strides = array<i32>} : memref<1x1x1024xf32, #tpu.memory_space<vmem>>, vector<1x1x16xf32>,
    %swap3A_232 = arith.constant 0 : i32
    %swap3A_233 = arith.constant 0 : i32
    %swap3A_234 = arith.index_cast %swap3A_232 : i32 to index
    %swap3A_235 = arith.index_cast %swap3A_233 : i32 to index
    %swap3A_236 = arith.constant 464 : index
    %swap3A_237 = tpu.vector_load %arg5[%swap3A_234, %swap3A_235, %swap3A_236] {strides = array<i32>} : memref<1x1x1024xf32, #tpu.memory_space<vmem>>, vector<1x1x16xf32>,
    %swap3A_238 = vector.shape_cast %swap3A_237 : vector<1x1x16xf32> to vector<16xf32>
    %swap3A_239 = vector.shape_cast %broadcast_in_dim3A_0 : vector<16xf32> to vector<1x1x16xf32>
    tpu.vector_store %arg5[%swap3A_234, %swap3A_235, %swap3A_236], %swap3A_239 {strides = array<i32>} : memref<1x1x1024xf32, #tpu.memory_space<vmem>>, vector<1x1x16xf32>,
    %swap3A_240 = arith.constant 0 : i32
    %swap3A_241 = arith.constant 0 : i32
    %swap3A_242 = arith.index_cast %swap3A_240 : i32 to index
    %swap3A_243 = arith.index_cast %swap3A_241 : i32 to index
    %swap3A_244 = arith.constant 480 : index
    %swap3A_245 = tpu.vector_load %arg5[%swap3A_242, %swap3A_243, %swap3A_244] {strides = array<i32>} : memref<1x1x1024xf32, #tpu.memory_space<vmem>>, vector<1x1x16xf32>,
    %swap3A_246 = vector.shape_cast %swap3A_245 : vector<1x1x16xf32> to vector<16xf32>
    %swap3A_247 = vector.shape_cast %broadcast_in_dim3A_0 : vector<16xf32> to vector<1x1x16xf32>
    tpu.vector_store %arg5[%swap3A_242, %swap3A_243, %swap3A_244], %swap3A_247 {strides = array<i32>} : memref<1x1x1024xf32, #tpu.memory_space<vmem>>, vector<1x1x16xf32>,
    %swap3A_248 = arith.constant 0 : i32
    %swap3A_249 = arith.constant 0 : i32
    %swap3A_250 = arith.index_cast %swap3A_248 : i32 to index
    %swap3A_251 = arith.index_cast %swap3A_249 : i32 to index
    %swap3A_252 = arith.constant 496 : index
    %swap3A_253 = tpu.vector_load %arg5[%swap3A_250, %swap3A_251, %swap3A_252] {strides = array<i32>} : memref<1x1x1024xf32, #tpu.memory_space<vmem>>, vector<1x1x16xf32>,
    %swap3A_254 = vector.shape_cast %swap3A_253 : vector<1x1x16xf32> to vector<16xf32>
    %swap3A_255 = vector.shape_cast %broadcast_in_dim3A_0 : vector<16xf32> to vector<1x1x16xf32>
    tpu.vector_store %arg5[%swap3A_250, %swap3A_251, %swap3A_252], %swap3A_255 {strides = array<i32>} : memref<1x1x1024xf32, #tpu.memory_space<vmem>>, vector<1x1x16xf32>,
    %swap3A_256 = arith.constant 0 : i32
    %swap3A_257 = arith.constant 0 : i32
    %swap3A_258 = arith.index_cast %swap3A_256 : i32 to index
    %swap3A_259 = arith.index_cast %swap3A_257 : i32 to index
    %swap3A_260 = arith.constant 512 : index
    %swap3A_261 = tpu.vector_load %arg5[%swap3A_258, %swap3A_259, %swap3A_260] {strides = array<i32>} : memref<1x1x1024xf32, #tpu.memory_space<vmem>>, vector<1x1x16xf32>,
    %swap3A_262 = vector.shape_cast %swap3A_261 : vector<1x1x16xf32> to vector<16xf32>
    %swap3A_263 = vector.shape_cast %broadcast_in_dim3A_0 : vector<16xf32> to vector<1x1x16xf32>
    tpu.vector_store %arg5[%swap3A_258, %swap3A_259, %swap3A_260], %swap3A_263 {strides = array<i32>} : memref<1x1x1024xf32, #tpu.memory_space<vmem>>, vector<1x1x16xf32>,
    %swap3A_264 = arith.constant 0 : i32
    %swap3A_265 = arith.constant 0 : i32
    %swap3A_266 = arith.index_cast %swap3A_264 : i32 to index
    %swap3A_267 = arith.index_cast %swap3A_265 : i32 to index
    %swap3A_268 = arith.constant 528 : index
    %swap3A_269 = tpu.vector_load %arg5[%swap3A_266, %swap3A_267, %swap3A_268] {strides = array<i32>} : memref<1x1x1024xf32, #tpu.memory_space<vmem>>, vector<1x1x16xf32>,
    %swap3A_270 = vector.shape_cast %swap3A_269 : vector<1x1x16xf32> to vector<16xf32>
    %swap3A_271 = vector.shape_cast %broadcast_in_dim3A_0 : vector<16xf32> to vector<1x1x16xf32>
    tpu.vector_store %arg5[%swap3A_266, %swap3A_267, %swap3A_268], %swap3A_271 {strides = array<i32>} : memref<1x1x1024xf32, #tpu.memory_space<vmem>>, vector<1x1x16xf32>,
    %swap3A_272 = arith.constant 0 : i32
    %swap3A_273 = arith.constant 0 : i32
    %swap3A_274 = arith.index_cast %swap3A_272 : i32 to index
    %swap3A_275 = arith.index_cast %swap3A_273 : i32 to index
    %swap3A_276 = arith.constant 544 : index
    %swap3A_277 = tpu.vector_load %arg5[%swap3A_274, %swap3A_275, %swap3A_276] {strides = array<i32>} : memref<1x1x1024xf32, #tpu.memory_space<vmem>>, vector<1x1x16xf32>,
    %swap3A_278 = vector.shape_cast %swap3A_277 : vector<1x1x16xf32> to vector<16xf32>
    %swap3A_279 = vector.shape_cast %broadcast_in_dim3A_0 : vector<16xf32> to vector<1x1x16xf32>
    tpu.vector_store %arg5[%swap3A_274, %swap3A_275, %swap3A_276], %swap3A_279 {strides = array<i32>} : memref<1x1x1024xf32, #tpu.memory_space<vmem>>, vector<1x1x16xf32>,
    %swap3A_280 = arith.constant 0 : i32
    %swap3A_281 = arith.constant 0 : i32
    %swap3A_282 = arith.index_cast %swap3A_280 : i32 to index
    %swap3A_283 = arith.index_cast %swap3A_281 : i32 to index
    %swap3A_284 = arith.constant 560 : index
    %swap3A_285 = tpu.vector_load %arg5[%swap3A_282, %swap3A_283, %swap3A_284] {strides = array<i32>} : memref<1x1x1024xf32, #tpu.memory_space<vmem>>, vector<1x1x16xf32>,
    %swap3A_286 = vector.shape_cast %swap3A_285 : vector<1x1x16xf32> to vector<16xf32>
    %swap3A_287 = vector.shape_cast %broadcast_in_dim3A_0 : vector<16xf32> to vector<1x1x16xf32>
    tpu.vector_store %arg5[%swap3A_282, %swap3A_283, %swap3A_284], %swap3A_287 {strides = array<i32>} : memref<1x1x1024xf32, #tpu.memory_space<vmem>>, vector<1x1x16xf32>,
    %swap3A_288 = arith.constant 0 : i32
    %swap3A_289 = arith.constant 0 : i32
    %swap3A_290 = arith.index_cast %swap3A_288 : i32 to index
    %swap3A_291 = arith.index_cast %swap3A_289 : i32 to index
    %swap3A_292 = arith.constant 576 : index
    %swap3A_293 = tpu.vector_load %arg5[%swap3A_290, %swap3A_291, %swap3A_292] {strides = array<i32>} : memref<1x1x1024xf32, #tpu.memory_space<vmem>>, vector<1x1x16xf32>,
    %swap3A_294 = vector.shape_cast %swap3A_293 : vector<1x1x16xf32> to vector<16xf32>
    %swap3A_295 = vector.shape_cast %broadcast_in_dim3A_0 : vector<16xf32> to vector<1x1x16xf32>
    tpu.vector_store %arg5[%swap3A_290, %swap3A_291, %swap3A_292], %swap3A_295 {strides = array<i32>} : memref<1x1x1024xf32, #tpu.memory_space<vmem>>, vector<1x1x16xf32>,
    %swap3A_296 = arith.constant 0 : i32
    %swap3A_297 = arith.constant 0 : i32
    %swap3A_298 = arith.index_cast %swap3A_296 : i32 to index
    %swap3A_299 = arith.index_cast %swap3A_297 : i32 to index
    %swap3A_300 = arith.constant 592 : index
    %swap3A_301 = tpu.vector_load %arg5[%swap3A_298, %swap3A_299, %swap3A_300] {strides = array<i32>} : memref<1x1x1024xf32, #tpu.memory_space<vmem>>, vector<1x1x16xf32>,
    %swap3A_302 = vector.shape_cast %swap3A_301 : vector<1x1x16xf32> to vector<16xf32>
    %swap3A_303 = vector.shape_cast %broadcast_in_dim3A_0 : vector<16xf32> to vector<1x1x16xf32>
    tpu.vector_store %arg5[%swap3A_298, %swap3A_299, %swap3A_300], %swap3A_303 {strides = array<i32>} : memref<1x1x1024xf32, #tpu.memory_space<vmem>>, vector<1x1x16xf32>,
    %swap3A_304 = arith.constant 0 : i32
    %swap3A_305 = arith.constant 0 : i32
    %swap3A_306 = arith.index_cast %swap3A_304 : i32 to index
    %swap3A_307 = arith.index_cast %swap3A_305 : i32 to index
    %swap3A_308 = arith.constant 608 : index
    %swap3A_309 = tpu.vector_load %arg5[%swap3A_306, %swap3A_307, %swap3A_308] {strides = array<i32>} : memref<1x1x1024xf32, #tpu.memory_space<vmem>>, vector<1x1x16xf32>,
    %swap3A_310 = vector.shape_cast %swap3A_309 : vector<1x1x16xf32> to vector<16xf32>
    %swap3A_311 = vector.shape_cast %broadcast_in_dim3A_0 : vector<16xf32> to vector<1x1x16xf32>
    tpu.vector_store %arg5[%swap3A_306, %swap3A_307, %swap3A_308], %swap3A_311 {strides = array<i32>} : memref<1x1x1024xf32, #tpu.memory_space<vmem>>, vector<1x1x16xf32>,
    %swap3A_312 = arith.constant 0 : i32
    %swap3A_313 = arith.constant 0 : i32
    %swap3A_314 = arith.index_cast %swap3A_312 : i32 to index
    %swap3A_315 = arith.index_cast %swap3A_313 : i32 to index
    %swap3A_316 = arith.constant 624 : index
    %swap3A_317 = tpu.vector_load %arg5[%swap3A_314, %swap3A_315, %swap3A_316] {strides = array<i32>} : memref<1x1x1024xf32, #tpu.memory_space<vmem>>, vector<1x1x16xf32>,
    %swap3A_318 = vector.shape_cast %swap3A_317 : vector<1x1x16xf32> to vector<16xf32>
    %swap3A_319 = vector.shape_cast %broadcast_in_dim3A_0 : vector<16xf32> to vector<1x1x16xf32>
    tpu.vector_store %arg5[%swap3A_314, %swap3A_315, %swap3A_316], %swap3A_319 {strides = array<i32>} : memref<1x1x1024xf32, #tpu.memory_space<vmem>>, vector<1x1x16xf32>,
    %swap3A_320 = arith.constant 0 : i32
    %swap3A_321 = arith.constant 0 : i32
    %swap3A_322 = arith.index_cast %swap3A_320 : i32 to index
    %swap3A_323 = arith.index_cast %swap3A_321 : i32 to index
    %swap3A_324 = arith.constant 640 : index
    %swap3A_325 = tpu.vector_load %arg5[%swap3A_322, %swap3A_323, %swap3A_324] {strides = array<i32>} : memref<1x1x1024xf32, #tpu.memory_space<vmem>>, vector<1x1x16xf32>,
    %swap3A_326 = vector.shape_cast %swap3A_325 : vector<1x1x16xf32> to vector<16xf32>
    %swap3A_327 = vector.shape_cast %broadcast_in_dim3A_0 : vector<16xf32> to vector<1x1x16xf32>
    tpu.vector_store %arg5[%swap3A_322, %swap3A_323, %swap3A_324], %swap3A_327 {strides = array<i32>} : memref<1x1x1024xf32, #tpu.memory_space<vmem>>, vector<1x1x16xf32>,
    %swap3A_328 = arith.constant 0 : i32
    %swap3A_329 = arith.constant 0 : i32
    %swap3A_330 = arith.index_cast %swap3A_328 : i32 to index
    %swap3A_331 = arith.index_cast %swap3A_329 : i32 to index
    %swap3A_332 = arith.constant 656 : index
    %swap3A_333 = tpu.vector_load %arg5[%swap3A_330, %swap3A_331, %swap3A_332] {strides = array<i32>} : memref<1x1x1024xf32, #tpu.memory_space<vmem>>, vector<1x1x16xf32>,
    %swap3A_334 = vector.shape_cast %swap3A_333 : vector<1x1x16xf32> to vector<16xf32>
    %swap3A_335 = vector.shape_cast %broadcast_in_dim3A_0 : vector<16xf32> to vector<1x1x16xf32>
    tpu.vector_store %arg5[%swap3A_330, %swap3A_331, %swap3A_332], %swap3A_335 {strides = array<i32>} : memref<1x1x1024xf32, #tpu.memory_space<vmem>>, vector<1x1x16xf32>,
    %swap3A_336 = arith.constant 0 : i32
    %swap3A_337 = arith.constant 0 : i32
    %swap3A_338 = arith.index_cast %swap3A_336 : i32 to index
    %swap3A_339 = arith.index_cast %swap3A_337 : i32 to index
    %swap3A_340 = arith.constant 672 : index
    %swap3A_341 = tpu.vector_load %arg5[%swap3A_338, %swap3A_339, %swap3A_340] {strides = array<i32>} : memref<1x1x1024xf32, #tpu.memory_space<vmem>>, vector<1x1x16xf32>,
    %swap3A_342 = vector.shape_cast %swap3A_341 : vector<1x1x16xf32> to vector<16xf32>
    %swap3A_343 = vector.shape_cast %broadcast_in_dim3A_0 : vector<16xf32> to vector<1x1x16xf32>
    tpu.vector_store %arg5[%swap3A_338, %swap3A_339, %swap3A_340], %swap3A_343 {strides = array<i32>} : memref<1x1x1024xf32, #tpu.memory_space<vmem>>, vector<1x1x16xf32>,
    %swap3A_344 = arith.constant 0 : i32
    %swap3A_345 = arith.constant 0 : i32
    %swap3A_346 = arith.index_cast %swap3A_344 : i32 to index
    %swap3A_347 = arith.index_cast %swap3A_345 : i32 to index
    %swap3A_348 = arith.constant 688 : index
    %swap3A_349 = tpu.vector_load %arg5[%swap3A_346, %swap3A_347, %swap3A_348] {strides = array<i32>} : memref<1x1x1024xf32, #tpu.memory_space<vmem>>, vector<1x1x16xf32>,
    %swap3A_350 = vector.shape_cast %swap3A_349 : vector<1x1x16xf32> to vector<16xf32>
    %swap3A_351 = vector.shape_cast %broadcast_in_dim3A_0 : vector<16xf32> to vector<1x1x16xf32>
    tpu.vector_store %arg5[%swap3A_346, %swap3A_347, %swap3A_348], %swap3A_351 {strides = array<i32>} : memref<1x1x1024xf32, #tpu.memory_space<vmem>>, vector<1x1x16xf32>,
    %swap3A_352 = arith.constant 0 : i32
    %swap3A_353 = arith.constant 0 : i32
    %swap3A_354 = arith.index_cast %swap3A_352 : i32 to index
    %swap3A_355 = arith.index_cast %swap3A_353 : i32 to index
    %swap3A_356 = arith.constant 704 : index
    %swap3A_357 = tpu.vector_load %arg5[%swap3A_354, %swap3A_355, %swap3A_356] {strides = array<i32>} : memref<1x1x1024xf32, #tpu.memory_space<vmem>>, vector<1x1x16xf32>,
    %swap3A_358 = vector.shape_cast %swap3A_357 : vector<1x1x16xf32> to vector<16xf32>
    %swap3A_359 = vector.shape_cast %broadcast_in_dim3A_0 : vector<16xf32> to vector<1x1x16xf32>
    tpu.vector_store %arg5[%swap3A_354, %swap3A_355, %swap3A_356], %swap3A_359 {strides = array<i32>} : memref<1x1x1024xf32, #tpu.memory_space<vmem>>, vector<1x1x16xf32>,
    %swap3A_360 = arith.constant 0 : i32
    %swap3A_361 = arith.constant 0 : i32
    %swap3A_362 = arith.index_cast %swap3A_360 : i32 to index
    %swap3A_363 = arith.index_cast %swap3A_361 : i32 to index
    %swap3A_364 = arith.constant 720 : index
    %swap3A_365 = tpu.vector_load %arg5[%swap3A_362, %swap3A_363, %swap3A_364] {strides = array<i32>} : memref<1x1x1024xf32, #tpu.memory_space<vmem>>, vector<1x1x16xf32>,
    %swap3A_366 = vector.shape_cast %swap3A_365 : vector<1x1x16xf32> to vector<16xf32>
    %swap3A_367 = vector.shape_cast %broadcast_in_dim3A_0 : vector<16xf32> to vector<1x1x16xf32>
    tpu.vector_store %arg5[%swap3A_362, %swap3A_363, %swap3A_364], %swap3A_367 {strides = array<i32>} : memref<1x1x1024xf32, #tpu.memory_space<vmem>>, vector<1x1x16xf32>,
    %swap3A_368 = arith.constant 0 : i32
    %swap3A_369 = arith.constant 0 : i32
    %swap3A_370 = arith.index_cast %swap3A_368 : i32 to index
    %swap3A_371 = arith.index_cast %swap3A_369 : i32 to index
    %swap3A_372 = arith.constant 736 : index
    %swap3A_373 = tpu.vector_load %arg5[%swap3A_370, %swap3A_371, %swap3A_372] {strides = array<i32>} : memref<1x1x1024xf32, #tpu.memory_space<vmem>>, vector<1x1x16xf32>,
    %swap3A_374 = vector.shape_cast %swap3A_373 : vector<1x1x16xf32> to vector<16xf32>
    %swap3A_375 = vector.shape_cast %broadcast_in_dim3A_0 : vector<16xf32> to vector<1x1x16xf32>
    tpu.vector_store %arg5[%swap3A_370, %swap3A_371, %swap3A_372], %swap3A_375 {strides = array<i32>} : memref<1x1x1024xf32, #tpu.memory_space<vmem>>, vector<1x1x16xf32>,
    %swap3A_376 = arith.constant 0 : i32
    %swap3A_377 = arith.constant 0 : i32
    %swap3A_378 = arith.index_cast %swap3A_376 : i32 to index
    %swap3A_379 = arith.index_cast %swap3A_377 : i32 to index
    %swap3A_380 = arith.constant 752 : index
    %swap3A_381 = tpu.vector_load %arg5[%swap3A_378, %swap3A_379, %swap3A_380] {strides = array<i32>} : memref<1x1x1024xf32, #tpu.memory_space<vmem>>, vector<1x1x16xf32>,
    %swap3A_382 = vector.shape_cast %swap3A_381 : vector<1x1x16xf32> to vector<16xf32>
    %swap3A_383 = vector.shape_cast %broadcast_in_dim3A_0 : vector<16xf32> to vector<1x1x16xf32>
    tpu.vector_store %arg5[%swap3A_378, %swap3A_379, %swap3A_380], %swap3A_383 {strides = array<i32>} : memref<1x1x1024xf32, #tpu.memory_space<vmem>>, vector<1x1x16xf32>,
    %swap3A_384 = arith.constant 0 : i32
    %swap3A_385 = arith.constant 0 : i32
    %swap3A_386 = arith.index_cast %swap3A_384 : i32 to index
    %swap3A_387 = arith.index_cast %swap3A_385 : i32 to index
    %swap3A_388 = arith.constant 768 : index
    %swap3A_389 = tpu.vector_load %arg5[%swap3A_386, %swap3A_387, %swap3A_388] {strides = array<i32>} : memref<1x1x1024xf32, #tpu.memory_space<vmem>>, vector<1x1x16xf32>,
    %swap3A_390 = vector.shape_cast %swap3A_389 : vector<1x1x16xf32> to vector<16xf32>
    %swap3A_391 = vector.shape_cast %broadcast_in_dim3A_0 : vector<16xf32> to vector<1x1x16xf32>
    tpu.vector_store %arg5[%swap3A_386, %swap3A_387, %swap3A_388], %swap3A_391 {strides = array<i32>} : memref<1x1x1024xf32, #tpu.memory_space<vmem>>, vector<1x1x16xf32>,
    %swap3A_392 = arith.constant 0 : i32
    %swap3A_393 = arith.constant 0 : i32
    %swap3A_394 = arith.index_cast %swap3A_392 : i32 to index
    %swap3A_395 = arith.index_cast %swap3A_393 : i32 to index
    %swap3A_396 = arith.constant 784 : index
    %swap3A_397 = tpu.vector_load %arg5[%swap3A_394, %swap3A_395, %swap3A_396] {strides = array<i32>} : memref<1x1x1024xf32, #tpu.memory_space<vmem>>, vector<1x1x16xf32>,
    %swap3A_398 = vector.shape_cast %swap3A_397 : vector<1x1x16xf32> to vector<16xf32>
    %swap3A_399 = vector.shape_cast %broadcast_in_dim3A_0 : vector<16xf32> to vector<1x1x16xf32>
    tpu.vector_store %arg5[%swap3A_394, %swap3A_395, %swap3A_396], %swap3A_399 {strides = array<i32>} : memref<1x1x1024xf32, #tpu.memory_space<vmem>>, vector<1x1x16xf32>,
    %swap3A_400 = arith.constant 0 : i32
    %swap3A_401 = arith.constant 0 : i32
    %swap3A_402 = arith.index_cast %swap3A_400 : i32 to index
    %swap3A_403 = arith.index_cast %swap3A_401 : i32 to index
    %swap3A_404 = arith.constant 800 : index
    %swap3A_405 = tpu.vector_load %arg5[%swap3A_402, %swap3A_403, %swap3A_404] {strides = array<i32>} : memref<1x1x1024xf32, #tpu.memory_space<vmem>>, vector<1x1x16xf32>,
    %swap3A_406 = vector.shape_cast %swap3A_405 : vector<1x1x16xf32> to vector<16xf32>
    %swap3A_407 = vector.shape_cast %broadcast_in_dim3A_0 : vector<16xf32> to vector<1x1x16xf32>
    tpu.vector_store %arg5[%swap3A_402, %swap3A_403, %swap3A_404], %swap3A_407 {strides = array<i32>} : memref<1x1x1024xf32, #tpu.memory_space<vmem>>, vector<1x1x16xf32>,
    %swap3A_408 = arith.constant 0 : i32
    %swap3A_409 = arith.constant 0 : i32
    %swap3A_410 = arith.index_cast %swap3A_408 : i32 to index
    %swap3A_411 = arith.index_cast %swap3A_409 : i32 to index
    %swap3A_412 = arith.constant 816 : index
    %swap3A_413 = tpu.vector_load %arg5[%swap3A_410, %swap3A_411, %swap3A_412] {strides = array<i32>} : memref<1x1x1024xf32, #tpu.memory_space<vmem>>, vector<1x1x16xf32>,
    %swap3A_414 = vector.shape_cast %swap3A_413 : vector<1x1x16xf32> to vector<16xf32>
    %swap3A_415 = vector.shape_cast %broadcast_in_dim3A_0 : vector<16xf32> to vector<1x1x16xf32>
    tpu.vector_store %arg5[%swap3A_410, %swap3A_411, %swap3A_412], %swap3A_415 {strides = array<i32>} : memref<1x1x1024xf32, #tpu.memory_space<vmem>>, vector<1x1x16xf32>,
    %swap3A_416 = arith.constant 0 : i32
    %swap3A_417 = arith.constant 0 : i32
    %swap3A_418 = arith.index_cast %swap3A_416 : i32 to index
    %swap3A_419 = arith.index_cast %swap3A_417 : i32 to index
    %swap3A_420 = arith.constant 832 : index
    %swap3A_421 = tpu.vector_load %arg5[%swap3A_418, %swap3A_419, %swap3A_420] {strides = array<i32>} : memref<1x1x1024xf32, #tpu.memory_space<vmem>>, vector<1x1x16xf32>,
    %swap3A_422 = vector.shape_cast %swap3A_421 : vector<1x1x16xf32> to vector<16xf32>
    %swap3A_423 = vector.shape_cast %broadcast_in_dim3A_0 : vector<16xf32> to vector<1x1x16xf32>
    tpu.vector_store %arg5[%swap3A_418, %swap3A_419, %swap3A_420], %swap3A_423 {strides = array<i32>} : memref<1x1x1024xf32, #tpu.memory_space<vmem>>, vector<1x1x16xf32>,
    %swap3A_424 = arith.constant 0 : i32
    %swap3A_425 = arith.constant 0 : i32
    %swap3A_426 = arith.index_cast %swap3A_424 : i32 to index
    %swap3A_427 = arith.index_cast %swap3A_425 : i32 to index
    %swap3A_428 = arith.constant 848 : index
    %swap3A_429 = tpu.vector_load %arg5[%swap3A_426, %swap3A_427, %swap3A_428] {strides = array<i32>} : memref<1x1x1024xf32, #tpu.memory_space<vmem>>, vector<1x1x16xf32>,
    %swap3A_430 = vector.shape_cast %swap3A_429 : vector<1x1x16xf32> to vector<16xf32>
    %swap3A_431 = vector.shape_cast %broadcast_in_dim3A_0 : vector<16xf32> to vector<1x1x16xf32>
    tpu.vector_store %arg5[%swap3A_426, %swap3A_427, %swap3A_428], %swap3A_431 {strides = array<i32>} : memref<1x1x1024xf32, #tpu.memory_space<vmem>>, vector<1x1x16xf32>,
    %swap3A_432 = arith.constant 0 : i32
    %swap3A_433 = arith.constant 0 : i32
    %swap3A_434 = arith.index_cast %swap3A_432 : i32 to index
    %swap3A_435 = arith.index_cast %swap3A_433 : i32 to index
    %swap3A_436 = arith.constant 864 : index
    %swap3A_437 = tpu.vector_load %arg5[%swap3A_434, %swap3A_435, %swap3A_436] {strides = array<i32>} : memref<1x1x1024xf32, #tpu.memory_space<vmem>>, vector<1x1x16xf32>,
    %swap3A_438 = vector.shape_cast %swap3A_437 : vector<1x1x16xf32> to vector<16xf32>
    %swap3A_439 = vector.shape_cast %broadcast_in_dim3A_0 : vector<16xf32> to vector<1x1x16xf32>
    tpu.vector_store %arg5[%swap3A_434, %swap3A_435, %swap3A_436], %swap3A_439 {strides = array<i32>} : memref<1x1x1024xf32, #tpu.memory_space<vmem>>, vector<1x1x16xf32>,
    %swap3A_440 = arith.constant 0 : i32
    %swap3A_441 = arith.constant 0 : i32
    %swap3A_442 = arith.index_cast %swap3A_440 : i32 to index
    %swap3A_443 = arith.index_cast %swap3A_441 : i32 to index
    %swap3A_444 = arith.constant 880 : index
    %swap3A_445 = tpu.vector_load %arg5[%swap3A_442, %swap3A_443, %swap3A_444] {strides = array<i32>} : memref<1x1x1024xf32, #tpu.memory_space<vmem>>, vector<1x1x16xf32>,
    %swap3A_446 = vector.shape_cast %swap3A_445 : vector<1x1x16xf32> to vector<16xf32>
    %swap3A_447 = vector.shape_cast %broadcast_in_dim3A_0 : vector<16xf32> to vector<1x1x16xf32>
    tpu.vector_store %arg5[%swap3A_442, %swap3A_443, %swap3A_444], %swap3A_447 {strides = array<i32>} : memref<1x1x1024xf32, #tpu.memory_space<vmem>>, vector<1x1x16xf32>,
    %swap3A_448 = arith.constant 0 : i32
    %swap3A_449 = arith.constant 0 : i32
    %swap3A_450 = arith.index_cast %swap3A_448 : i32 to index
    %swap3A_451 = arith.index_cast %swap3A_449 : i32 to index
    %swap3A_452 = arith.constant 896 : index
    %swap3A_453 = tpu.vector_load %arg5[%swap3A_450, %swap3A_451, %swap3A_452] {strides = array<i32>} : memref<1x1x1024xf32, #tpu.memory_space<vmem>>, vector<1x1x16xf32>,
    %swap3A_454 = vector.shape_cast %swap3A_453 : vector<1x1x16xf32> to vector<16xf32>
    %swap3A_455 = vector.shape_cast %broadcast_in_dim3A_0 : vector<16xf32> to vector<1x1x16xf32>
    tpu.vector_store %arg5[%swap3A_450, %swap3A_451, %swap3A_452], %swap3A_455 {strides = array<i32>} : memref<1x1x1024xf32, #tpu.memory_space<vmem>>, vector<1x1x16xf32>,
    %swap3A_456 = arith.constant 0 : i32
    %swap3A_457 = arith.constant 0 : i32
    %swap3A_458 = arith.index_cast %swap3A_456 : i32 to index
    %swap3A_459 = arith.index_cast %swap3A_457 : i32 to index
    %swap3A_460 = arith.constant 912 : index
    %swap3A_461 = tpu.vector_load %arg5[%swap3A_458, %swap3A_459, %swap3A_460] {strides = array<i32>} : memref<1x1x1024xf32, #tpu.memory_space<vmem>>, vector<1x1x16xf32>,
    %swap3A_462 = vector.shape_cast %swap3A_461 : vector<1x1x16xf32> to vector<16xf32>
    %swap3A_463 = vector.shape_cast %broadcast_in_dim3A_0 : vector<16xf32> to vector<1x1x16xf32>
    tpu.vector_store %arg5[%swap3A_458, %swap3A_459, %swap3A_460], %swap3A_463 {strides = array<i32>} : memref<1x1x1024xf32, #tpu.memory_space<vmem>>, vector<1x1x16xf32>,
    %swap3A_464 = arith.constant 0 : i32
    %swap3A_465 = arith.constant 0 : i32
    %swap3A_466 = arith.index_cast %swap3A_464 : i32 to index
    %swap3A_467 = arith.index_cast %swap3A_465 : i32 to index
    %swap3A_468 = arith.constant 928 : index
    %swap3A_469 = tpu.vector_load %arg5[%swap3A_466, %swap3A_467, %swap3A_468] {strides = array<i32>} : memref<1x1x1024xf32, #tpu.memory_space<vmem>>, vector<1x1x16xf32>,
    %swap3A_470 = vector.shape_cast %swap3A_469 : vector<1x1x16xf32> to vector<16xf32>
    %swap3A_471 = vector.shape_cast %broadcast_in_dim3A_0 : vector<16xf32> to vector<1x1x16xf32>
    tpu.vector_store %arg5[%swap3A_466, %swap3A_467, %swap3A_468], %swap3A_471 {strides = array<i32>} : memref<1x1x1024xf32, #tpu.memory_space<vmem>>, vector<1x1x16xf32>,
    %swap3A_472 = arith.constant 0 : i32
    %swap3A_473 = arith.constant 0 : i32
    %swap3A_474 = arith.index_cast %swap3A_472 : i32 to index
    %swap3A_475 = arith.index_cast %swap3A_473 : i32 to index
    %swap3A_476 = arith.constant 944 : index
    %swap3A_477 = tpu.vector_load %arg5[%swap3A_474, %swap3A_475, %swap3A_476] {strides = array<i32>} : memref<1x1x1024xf32, #tpu.memory_space<vmem>>, vector<1x1x16xf32>,
    %swap3A_478 = vector.shape_cast %swap3A_477 : vector<1x1x16xf32> to vector<16xf32>
    %swap3A_479 = vector.shape_cast %broadcast_in_dim3A_0 : vector<16xf32> to vector<1x1x16xf32>
    tpu.vector_store %arg5[%swap3A_474, %swap3A_475, %swap3A_476], %swap3A_479 {strides = array<i32>} : memref<1x1x1024xf32, #tpu.memory_space<vmem>>, vector<1x1x16xf32>,
    %swap3A_480 = arith.constant 0 : i32
    %swap3A_481 = arith.constant 0 : i32
    %swap3A_482 = arith.index_cast %swap3A_480 : i32 to index
    %swap3A_483 = arith.index_cast %swap3A_481 : i32 to index
    %swap3A_484 = arith.constant 960 : index
    %swap3A_485 = tpu.vector_load %arg5[%swap3A_482, %swap3A_483, %swap3A_484] {strides = array<i32>} : memref<1x1x1024xf32, #tpu.memory_space<vmem>>, vector<1x1x16xf32>,
    %swap3A_486 = vector.shape_cast %swap3A_485 : vector<1x1x16xf32> to vector<16xf32>
    %swap3A_487 = vector.shape_cast %broadcast_in_dim3A_0 : vector<16xf32> to vector<1x1x16xf32>
    tpu.vector_store %arg5[%swap3A_482, %swap3A_483, %swap3A_484], %swap3A_487 {strides = array<i32>} : memref<1x1x1024xf32, #tpu.memory_space<vmem>>, vector<1x1x16xf32>,
    %swap3A_488 = arith.constant 0 : i32
    %swap3A_489 = arith.constant 0 : i32
    %swap3A_490 = arith.index_cast %swap3A_488 : i32 to index
    %swap3A_491 = arith.index_cast %swap3A_489 : i32 to index
    %swap3A_492 = arith.constant 976 : index
    %swap3A_493 = tpu.vector_load %arg5[%swap3A_490, %swap3A_491, %swap3A_492] {strides = array<i32>} : memref<1x1x1024xf32, #tpu.memory_space<vmem>>, vector<1x1x16xf32>,
    %swap3A_494 = vector.shape_cast %swap3A_493 : vector<1x1x16xf32> to vector<16xf32>
    %swap3A_495 = vector.shape_cast %broadcast_in_dim3A_0 : vector<16xf32> to vector<1x1x16xf32>
    tpu.vector_store %arg5[%swap3A_490, %swap3A_491, %swap3A_492], %swap3A_495 {strides = array<i32>} : memref<1x1x1024xf32, #tpu.memory_space<vmem>>, vector<1x1x16xf32>,
    %swap3A_496 = arith.constant 0 : i32
    %swap3A_497 = arith.constant 0 : i32
    %swap3A_498 = arith.index_cast %swap3A_496 : i32 to index
    %swap3A_499 = arith.index_cast %swap3A_497 : i32 to index
    %swap3A_500 = arith.constant 992 : index
    %swap3A_501 = tpu.vector_load %arg5[%swap3A_498, %swap3A_499, %swap3A_500] {strides = array<i32>} : memref<1x1x1024xf32, #tpu.memory_space<vmem>>, vector<1x1x16xf32>,
    %swap3A_502 = vector.shape_cast %swap3A_501 : vector<1x1x16xf32> to vector<16xf32>
    %swap3A_503 = vector.shape_cast %broadcast_in_dim3A_0 : vector<16xf32> to vector<1x1x16xf32>
    tpu.vector_store %arg5[%swap3A_498, %swap3A_499, %swap3A_500], %swap3A_503 {strides = array<i32>} : memref<1x1x1024xf32, #tpu.memory_space<vmem>>, vector<1x1x16xf32>,
    %swap3A_504 = arith.constant 0 : i32
    %swap3A_505 = arith.constant 0 : i32
    %swap3A_506 = arith.index_cast %swap3A_504 : i32 to index
    %swap3A_507 = arith.index_cast %swap3A_505 : i32 to index
    %swap3A_508 = arith.constant 1008 : index
    %swap3A_509 = tpu.vector_load %arg5[%swap3A_506, %swap3A_507, %swap3A_508] {strides = array<i32>} : memref<1x1x1024xf32, #tpu.memory_space<vmem>>, vector<1x1x16xf32>,
    %swap3A_510 = vector.shape_cast %swap3A_509 : vector<1x1x16xf32> to vector<16xf32>
    %swap3A_511 = vector.shape_cast %broadcast_in_dim3A_0 : vector<16xf32> to vector<1x1x16xf32>
    tpu.vector_store %arg5[%swap3A_506, %swap3A_507, %swap3A_508], %swap3A_511 {strides = array<i32>} : memref<1x1x1024xf32, #tpu.memory_space<vmem>>, vector<1x1x16xf32>,
    %lt3A = arith.constant 4 : i32
    %lt3A_512 = arith.cmpi slt, %arg1, %lt3A : i32
    %convert_element_type3A = arith.extui %lt3A_512 : i1 to i32
    %cond3A = arith.constant 0 : i32
    %cond3A_513 = arith.cmpi ne, %convert_element_type3A, %cond3A : i32
    scf.if %cond3A_513 {
      %mul3A = arith.constant 4 : i32
      %mul3A_514 = arith.muli %mul3A, %arg0 : i32
      %add3A = arith.addi %mul3A_514, %arg1 : i32
      "tpu.region"() ({
        %run_scoped3A = tpu.sem_alloc : memref<!tpu.dma_semaphore, #tpu.memory_space<semaphore_mem>>
        %dma_start3A = arith.constant 0 : i32
        %dma_start3A_515 = arith.constant 0 : i32
        %dma_start3A_516 = tpu.memref_slice %arg4[%add3A, %dma_start3A, %dma_start3A_515] : memref<8x1x1024xf32, #tpu.memory_space<hbm>> -> memref<1x1x1024xf32, #tpu.memory_space<hbm>>
        %dma_start3A_517 = arith.constant 0 : i32
        %dma_start3A_518 = arith.constant 0 : i32
        %dma_start3A_519 = tpu.memref_slice %arg4[%add3A, %dma_start3A_517, %dma_start3A_518] : memref<8x1x1024xf32, #tpu.memory_space<hbm>> -> memref<1x1x1024xf32, #tpu.memory_space<hbm>>
        tpu.enqueue_dma source(%arg5 : memref<1x1x1024xf32, #tpu.memory_space<vmem>>) target(%dma_start3A_519 : memref<1x1x1024xf32, #tpu.memory_space<hbm>>) target_semaphore(%run_scoped3A : memref<!tpu.dma_semaphore, #tpu.memory_space<semaphore_mem>>)
        %dma_wait3A = arith.constant 0 : i32
        %dma_wait3A_520 = arith.constant 0 : i32
        %dma_wait3A_521 = tpu.memref_slice %arg4[%add3A, %dma_wait3A, %dma_wait3A_520] : memref<8x1x1024xf32, #tpu.memory_space<hbm>> -> memref<1x1x1024xf32, #tpu.memory_space<hbm>>
        %dma_wait3A_522 = arith.constant 0 : i32
        %dma_wait3A_523 = arith.constant 0 : i32
        %dma_wait3A_524 = tpu.memref_slice %arg4[%add3A, %dma_wait3A_522, %dma_wait3A_523] : memref<8x1x1024xf32, #tpu.memory_space<hbm>> -> memref<1x1x1024xf32, #tpu.memory_space<hbm>>
        tpu.wait_dma2 semaphore(%run_scoped3A : memref<!tpu.dma_semaphore, #tpu.memory_space<semaphore_mem>>) src(%arg5 : memref<1x1x1024xf32, #tpu.memory_space<vmem>>) dst(%dma_wait3A_524 : memref<1x1x1024xf32, #tpu.memory_space<hbm>>)
        tpu.yield
      }) : () -> ()
    } else {
    }
    return
  }
}

</mosaic_0001>

<sc_bundles>
// kernel: kernel.3.cloned.1.call-start
scs
__scs_entry_jumppad:
0x0: {  	(pc) =	sbr.rel $0x88, $3  }
0x1: {  	(tag) =	ssettag $0x0;
	lr =	simm.s32 $0x1  }
0x2: {  	[smem:$0x3F9F] =	sst lr;
	_ =	strace $0xD0000000  }
0x3: {  	_ = 	snop  }
0x4: {  	_ = 	snop  }
0x5: {  	_ = 	snop  }
0x6: {  	_ = 	snop  }
0x7: {  	_ = 	snop  }
__scs_overlays_trampoline_lowered:
0x8: {  	[smem:$0x3FAE] =	sst s0  }
0x9: {  	[smem:$0x3FAF] =	sst s1  }
0xa: {  	[smem:$0x3FB0] =	sst s2  }
0xb: {  	[smem:$0x3FB1] =	sst s3  }
0xc: {  	[smem:$0x3FB2] =	sst s4  }
0xd: {  	[smem:$0x3FB3] =	sst s5  }
0xe: {  	[smem:$0x3FB4] =	sst s6  }
0xf: {  	[smem:$0x3FB5] =	sst s7  }
0x10: {  	[smem:$0x3FB6] =	sst s8  }
0x11: {  	[smem:$0x3FB7] =	sst s9;
	s0 =	simm.s32 @!p0 $0x0  }
0x12: {  	s1 =	sld [smem:$0x3F9D];
	s0 =	simm.s32 @p0 $0x1  }
0x13: {  	[smem:$0x3FB8] =	sst s0;
	s0 =	simm.s32 @!p1 $0x0  }
0x14: {  	s2 =	sld [smem:$0x3F9C];
	s0 =	simm.s32 @p1 $0x1  }
0x15: {  	[smem:$0x3FB9] =	sst s0;
	s0 =	simm.s32 @!p2 $0x0  }
0x16: {  	s3 =	sld [smem:$0x3FDB];
	s0 =	simm.s32 @p2 $0x1  }
0x17: {  	s4 =	simm.s32 $0x1BF5;
	[smem:$0x3FBB] =	sst s0  }
0x18: {  	s0 =	sld [smem:$0x3F9E];
	_ =	swait.ge [sflag:s4], $0x0  }
0x19: {  	s7 =	sld [smem:$0x3F9F]  }
0x1a: {  	s8 =	sadd.s32 $0xFFFFE003, lr  }
0x1b: {  	s9 =	sadd.s32 $0xFFFFFEF7, lr;
	s5 =	simm.s32 $0xFFFFFFFF;
	p2 =	slt.u32 s8, $0xFFFFF086  }
0x1c: {  	p1 =	slt.u32 s9, $0xF7A;
	s5 =	simm.s32 @!p2 $0x0  }
0x1d: {  	s5 =	simm.s32 @p1 $0x1;
	p0 =	seq.s32 s7, s2  }
0x1e: {  	s7 =	smul.u32 @!p0 $0xF7A, s2;
	p2 =	seq.s32 @!p0 s5, $0x0  }
0x1f: {  	s9 =	smul.u32 $0xF7A, s1;
	s8 =	simm.s32 @!p0 $0x1BF5;
	p2 =	por !p2, p0  }
0x20: {  	[sflag:s8] =	ssyncset.s32 @!p0 $0xFFFFF086;
	s6 =	sadd.s32 @!p0 s3, s7;
	s7 =	simm.s32 @!p0 $0x108  }
0x21: {  	s3 =	sadd.s32 s3, s9;
	s6 =	sadd.s32 @!p0 $0x88, s6;
	s7 =	simm.s32 @p2 $0x1082  }
0x22: {  	[simem:s7], [sflag:s8] =	dma.local @!p0 [hbm:s6], $0xF7A  }
0x23: {  	s9 =	sor.u32 $0xD0000000, s2;
	s6 =	simm.s32 $0x108;
	_ =	swait.ge @!p0 [sflag:s8], $0x0  }
0x24: {  	s3 =	sadd.s32 $0x88, s3;
	s6 =	simm.s32 @!p1 $0x1082;
	[sflag:s4] =	ssyncset.s32 $0xFFFFF086  }
0x25: {  	[simem:s6], [sflag:s4] =	dma.local [hbm:s3], $0xF7A  }
0x26: {  	[smem:$0x3F9F] =	sst s1;
	(tag) =	ssettag s2;
	_ =	strace s9  }
0x27: {  	s1 =	sld [smem:$0x3FAF]  }
0x28: {  	s2 =	sld [smem:$0x3FB0]  }
0x29: {  	s4 =	sld [smem:$0x3FB2]  }
0x2a: {  	p0 =	seq.s32 s5, $0x0;
	s5 =	sld [smem:$0x3FB3]  }
0x2b: {  	s6 =	sld [smem:$0x3FB4]  }
0x2c: {  	s7 =	sld [smem:$0x3FB5]  }
0x2d: {  	s3 =	simm.s32 $0x108;
	s8 =	sld [smem:$0x3FB6]  }
0x2e: {  	s3 =	simm.s32 @!p0 $0x1082;
	s9 =	sld [smem:$0x3FB7]  }
0x2f: {  	lr =	sadd.s32 s0, s3;
	s0 =	sld [smem:$0x3FAE]  }
0x30: {  	s3 =	sld [smem:$0x3FB1]  }
0x31: {  	[smem:$0x3FBA] =	sst s10  }
0x32: {  	s10 =	sld [smem:$0x3FB8];
	_ =	sdelay $0x3  }
0x33: {  	p0 =	seq.s32 s10, $0x1;
	s10 =	sld [smem:$0x3FBA];
	_ =	sdelay $0x3  }
0x34: {  	[smem:$0x3FBA] =	sst s10  }
0x35: {  	s10 =	sld [smem:$0x3FB9];
	_ =	sdelay $0x3  }
0x36: {  	p1 =	seq.s32 s10, $0x1;
	s10 =	sld [smem:$0x3FBA];
	_ =	sdelay $0x3  }
0x37: {  	[smem:$0x3FBA] =	sst s10  }
0x38: {  	s10 =	sld [smem:$0x3FBB]  }
0x39: {  	_ = 	snop;
	(pc) =	sbr.ind lr, $3  }
0x3a: {  	_ = 	snop  }
0x3b: {  	_ = 	snop  }
0x3c: {  	p2 =	seq.s32 s10, $0x1;
	s10 =	sld [smem:$0x3FBA]  }
0x3d: {  	_ =	shalt  }
0x3e: {  	_ =	shalt  }
0x3f: {  	_ =	shalt  }
0x40: {  	_ =	shalt  }
0x41: {  	_ =	shalt  }
0x42: {  	_ =	shalt  }
0x43: {  	_ =	shalt  }
0x44: {  	_ =	shalt  }
0x45: {  	_ =	shalt  }
0x46: {  	_ =	shalt  }
0x47: {  	_ =	shalt  }
0x48: {  	_ =	shalt  }
0x49: {  	_ =	shalt  }
0x4a: {  	_ =	shalt  }
0x4b: {  	_ =	shalt  }
0x4c: {  	_ =	shalt  }
0x4d: {  	_ =	shalt  }
0x4e: {  	_ =	shalt  }
0x4f: {  	_ =	shalt  }
0x50: {  	_ =	shalt  }
0x51: {  	_ =	shalt  }
0x52: {  	_ =	shalt  }
0x53: {  	_ =	shalt  }
0x54: {  	_ =	shalt  }
0x55: {  	_ =	shalt  }
0x56: {  	_ =	shalt  }
0x57: {  	_ =	shalt  }
0x58: {  	_ =	shalt  }
0x59: {  	_ =	shalt  }
0x5a: {  	_ =	shalt  }
0x5b: {  	_ =	shalt  }
0x5c: {  	_ =	shalt  }
0x5d: {  	_ =	shalt  }
0x5e: {  	_ =	shalt  }
0x5f: {  	_ =	shalt  }
0x60: {  	_ =	shalt  }
0x61: {  	_ =	shalt  }
0x62: {  	_ =	shalt  }
0x63: {  	_ =	shalt  }
0x64: {  	_ =	shalt  }
0x65: {  	_ =	shalt  }
0x66: {  	_ =	shalt  }
0x67: {  	_ =	shalt  }
0x68: {  	_ =	shalt  }
0x69: {  	_ =	shalt  }
0x6a: {  	_ =	shalt  }
0x6b: {  	_ =	shalt  }
0x6c: {  	_ =	shalt  }
0x6d: {  	_ =	shalt  }
0x6e: {  	_ =	shalt  }
0x6f: {  	_ =	shalt  }
0x70: {  	_ =	shalt  }
0x71: {  	_ =	shalt  }
0x72: {  	_ =	shalt  }
0x73: {  	_ =	shalt  }
0x74: {  	_ =	shalt  }
0x75: {  	_ =	shalt  }
0x76: {  	_ =	shalt  }
0x77: {  	_ =	shalt  }
0x78: {  	_ =	shalt  }
0x79: {  	_ =	shalt  }
0x7a: {  	_ =	shalt  }
0x7b: {  	_ =	shalt  }
0x7c: {  	_ =	shalt  }
0x7d: {  	_ =	shalt  }
0x7e: {  	_ =	shalt  }
0x7f: {  	_ =	shalt  }
0x80: {  	_ =	shalt  }
0x81: {  	_ =	shalt  }
0x82: {  	_ =	shalt  }
0x83: {  	_ =	shalt  }
0x84: {  	_ =	shalt  }
0x85: {  	_ =	shalt  }
0x86: {  	_ =	shalt  }
0x87: {  	_ =	shalt  }
.Lfunc_end0:
.L_simem_size_0:
called_computation_lowered:
.L_overlay_start_0:
0x88: {  	s2 =	sld [smem:$0x3FD9]  }
0x89: {  	s3 =	sld [smem:$0x3FFE];
	_ =	sdelay $0x1  }
0x8a: {  	s1 =	srdreg.scid  }
0x8b: {  	s0 =	sand.u32 $0x1, s1  }
0x8c: {  	s16 =	sshll.u32 s0, $0xA;
	s2 =	sadd.s32 s3, s2  }
0x8d: {  	s2 =	sadd.s32 s2, s16  }
0x8e: {  	[smem:$0x3FC6] =	sst s2  }
0x8f: {  	_ = 	snop  }
0x90: {  	(tm) =	ssettm $0x1  }
0x91: {  	s17 =	sld [smem:$0x3FFB];
	_ =	sdelay $0x3  }
0x92: {  	_ =	strace s17  }
0x93: {  	s2 =	sld [smem:$0x3FFC];
	_ =	sdelay $0x3  }
0x94: {  	_ =	strace s2  }
0x95: {  	s2 =	sld [smem:$0x3FFD];
	_ =	sdelay $0x3  }
0x96: {  	_ =	strace s2  }
0x97: {  	_ =	strace $0x8FFFFFFF  }
0x98: {  	s18 =	sld [smem:$0x3FDB];
	_ =	sdelay $0x1  }
0x99: {  	s19 =	simm.s32 $_scs_section_size  }
0x9a: {  	s4 =	simm.s32 $_size__tile_overlayer_lowered;
	s5 =	simm.s32 $_tile_overlayer_lowered  }
0x9b: {  	s22 =	simm.s32 $0x1BFF;
	s21 =	sshll.u32 s5, $0x1;
	s2 =	sadd.s32 s19, s18  }
0x9c: {  	s6 =	simm.s32 $0x0;
	s20 =	sshll.u32 s4, $0x1;
	s4 =	sadd.s32 s21, s2  }
0x9d: {  	[timem:s6], [sflag:s22] =	dma.local [hbm:s4], s20  }
0x9e: {  	_ =	swait.ge [sflag:s22], s20  }
0x9f: {  	s3 =	ssub.s32 $0x0, s20;
	[sflag:s22] =	ssyncset.done $0x0  }
0xa0: {  	[sflag:s22] =	ssyncadd.s32 s3;
	_ =	sdelay $0x1  }
0xa1: {  	s23 =	simm.s32 $0x1B8B  }
0xa2: {  	_ =	swait.ge [sflag:s23], $0x1  }
0xa3: {  	[sflag:s23] =	ssyncset.done $0x0  }
0xa4: {  	s25 =	simm.s32 $0x1B8E;
	s24 =	sld [smem:$0x3FFE];
	[sflag:s23] =	ssyncadd.s32 $0xFFFFFFFF  }
0xa5: {  	s26 =	simm.s32 $execute0_lowered;
	[smem:$0x3FD2] =	sst s25  }
0xa6: {  	s4 =	sshll.u32 s26, $0x1;
	_ =	strace $0x80000046;
	[dreg:$0x1] =	wrdreg $0xFFFFFFFF  }
0xa7: {  	s28 =	simm.s32 $_size_execute0_lowered;
	s2 =	sadd.s32 s2, s4;
	[dreg:$0x0] =	wrdreg $0x0  }
0xa8: {  	s4 =	sshll.u32 s28, $0x1;
	[dreg:$0x2] =	wrdreg s2  }
0xa9: {  	[dreg:$0x3] =	wrdreg s4  }
0xaa: {  	[dreg:$0x4] =	wrdreg $0xC0  }
0xab: {  	_ =	task [dreg:s6], $0x5FFFF  }
0xac: {  	[dreg:$0x1] =	wrdreg $0xFFFFFFFF  }
0xad: {  	[dreg:$0x0] =	wrdreg $0x60  }
0xae: {  	[dreg:$0x2] =	wrdreg s24  }
0xaf: {  	[dreg:$0x3] =	wrdreg $0x9  }
0xb0: {  	_ =	task.clear_ibuf [dreg:s6], $0x4FFFF;
	_ =	strace $0x90000046  }
0xb1: {  	s29 =	simm.s32 $0x9;
	_ =	strace $0x80000048  }
0xb2: {  	_ =	swait.ge [sflag:s29], $0x1  }
0xb3: {  	[sflag:s29] =	ssyncadd.s32 $0xFFFFFFFF  }
0xb4: {  	_ =	strace $0x90000048  }
0xb5: {  	_ =	sfence  }
0xb6: {  	s30 =	sld [smem:$0x0];
	_ =	sdelay $0x2  }
0xb7: {  	s31 =	sshll.u32 s1, $0xD;
	s1 =	sshrl.u32 s1, $0x2  }
0xb8: {  	s3 =	sand.u32 $0x4000, s31;
	s1 =	sadd.s32 s1, s30  }
0xb9: {  	s0 =	sor.u32 s3, s0;
	s1 =	sshll.u32 s1, $0x11  }
0xba: {  	s0 =	sor.u32 s1, s0  }
0xbb: {  	s0 =	sadd.s32 $0x8F2B, s0  }
0xbc: {  	[sflag:s0] =	ssyncadd.remote.s32 $0x1  }
0xbd: {  	_ =	sfence.sel $0xFFFF  }
0xbe: {  	[dreg:$0x0] =	wrdreg $0xFFFFFFFF;
	(pc) =	sbr.abs _section_cstart, $3  }
0xbf: {  	[dreg:$0x1] =	wrdreg $0xFFFFFFFF  }
0xc0: {  	_ =	task.clear_ibuf [dreg:s6], $0x2FFFF;
	_ =	strace $0x9FFFFFFF  }
0xc1: {  	(tm) =	ssettm $0x7FFFFFFF  }
tec
execute0_lowered:
.L_overlay_start_1:
0x0: {  	(tag) =	ssettag $0x1  }
0x1: {  	s2 =	rddreg [dreg:$0x0];
	s1 =	simm.s32 $0x0  }
0x2: {  	v0 =	vimm.f32 $0.0e+00;
	[smem:$0x7FF] =	sst s1  }
0x3: {  	s0 =	rddreg [dreg:$0x1];
	_ =	strace $0x80000047;
	[tilespmem:$0x20] =	vst v0  }
0x4: {  	[tilespmem:$0x30] =	vst v0  }
0x5: {  	[tilespmem:$0x0] =	vst v0  }
0x6: {  	[tilespmem:$0x3F0] =	vst v0  }
0x7: {  	[tilespmem:$0x3E0] =	vst v0  }
0x8: {  	[tilespmem:$0x3D0] =	vst v0  }
0x9: {  	[tilespmem:$0x3C0] =	vst v0  }
0xa: {  	[tilespmem:$0x3B0] =	vst v0  }
0xb: {  	[tilespmem:$0x3A0] =	vst v0  }
0xc: {  	[tilespmem:$0x390] =	vst v0  }
0xd: {  	[tilespmem:$0x380] =	vst v0  }
0xe: {  	[tilespmem:$0x370] =	vst v0  }
0xf: {  	[tilespmem:$0x360] =	vst v0  }
0x10: {  	[tilespmem:$0x350] =	vst v0  }
0x11: {  	[tilespmem:$0x340] =	vst v0  }
0x12: {  	[tilespmem:$0x330] =	vst v0  }
0x13: {  	[tilespmem:$0x320] =	vst v0  }
0x14: {  	[tilespmem:$0x310] =	vst v0  }
0x15: {  	[tilespmem:$0x300] =	vst v0  }
0x16: {  	[tilespmem:$0x2F0] =	vst v0  }
0x17: {  	[tilespmem:$0x2E0] =	vst v0  }
0x18: {  	[tilespmem:$0x2D0] =	vst v0  }
0x19: {  	[tilespmem:$0x2C0] =	vst v0  }
0x1a: {  	[tilespmem:$0x2B0] =	vst v0  }
0x1b: {  	[tilespmem:$0x2A0] =	vst v0  }
0x1c: {  	[tilespmem:$0x290] =	vst v0  }
0x1d: {  	[tilespmem:$0x280] =	vst v0  }
0x1e: {  	[tilespmem:$0x270] =	vst v0  }
0x1f: {  	[tilespmem:$0x260] =	vst v0  }
0x20: {  	[tilespmem:$0x250] =	vst v0  }
0x21: {  	[tilespmem:$0x240] =	vst v0  }
0x22: {  	[tilespmem:$0x230] =	vst v0  }
0x23: {  	[tilespmem:$0x220] =	vst v0  }
0x24: {  	[tilespmem:$0x210] =	vst v0  }
0x25: {  	[tilespmem:$0x200] =	vst v0  }
0x26: {  	[tilespmem:$0x1F0] =	vst v0  }
0x27: {  	[tilespmem:$0x1E0] =	vst v0  }
0x28: {  	[tilespmem:$0x1D0] =	vst v0  }
0x29: {  	[tilespmem:$0x1C0] =	vst v0  }
0x2a: {  	[tilespmem:$0x1B0] =	vst v0  }
0x2b: {  	[tilespmem:$0x1A0] =	vst v0  }
0x2c: {  	[tilespmem:$0x190] =	vst v0  }
0x2d: {  	[tilespmem:$0x180] =	vst v0  }
0x2e: {  	[tilespmem:$0x170] =	vst v0  }
0x2f: {  	[tilespmem:$0x160] =	vst v0  }
0x30: {  	[tilespmem:$0x150] =	vst v0  }
0x31: {  	[tilespmem:$0x140] =	vst v0  }
0x32: {  	[tilespmem:$0x130] =	vst v0  }
0x33: {  	[tilespmem:$0x120] =	vst v0  }
0x34: {  	[tilespmem:$0x110] =	vst v0  }
0x35: {  	[tilespmem:$0x100] =	vst v0  }
0x36: {  	[tilespmem:$0xF0] =	vst v0  }
0x37: {  	[tilespmem:$0xE0] =	vst v0  }
0x38: {  	[tilespmem:$0xD0] =	vst v0  }
0x39: {  	s3 =	srdreg.scid;
	[tilespmem:$0xC0] =	vst v0  }
0x3a: {  	s3 =	sand.u32 $0x1, s3;
	[tilespmem:$0xB0] =	vst v0  }
0x3b: {  	s1 =	stileid.u32;
	[tilespmem:$0xA0] =	vst v0;
	s5 =	ssub.s32 $0x2, s3  }
0x3c: {  	[tilespmem:$0x90] =	vst v0;
	s4 =	sshll.u32 s1, $0x7;
	s30 =	sshrl.u32 s5, $0x1  }
0x3d: {  	[tilespmem:$0x80] =	vst v0;
	s2 =	sadd.s32 s4, s2;
	s4 =	ssub.s32 s5, s30  }
0x3e: {  	[tilespmem:$0x70] =	vst v0;
	s31 =	smax.u32 s4, $0x1  }
0x3f: {  	[tilespmem:$0x60] =	vst v0;
	s4 =	sadd.s32 $0xFFFFFFFF, s31  }
0x40: {  	s3 =	sshll.u32 s3, $0x9;
	[tilespmem:$0x50] =	vst v0;
	p1 =	sne.s32 s4, $0x0  }
.Ltmp0:
0x41: {  	p0 =	sgt.u32 s1, $0x3;
	[tilespmem:$0x40] =	vst v0;
	s2 =	sadd.s32 s3, s2;
	(pc) =	sbr.rel @!p1 .LBB2_2-.Ltmp0, $4  }
0x42: {  	[tilespmem:$0x10] =	vst v0;
	s5 =	simm.s32 @!p0 $0x0;
	s3 =	simm.s32 @!p0 $0x1;
	s2 =	sadd.s32 $0x400, s2  }
0x43: {  	[hbm4b:s2+s5] =	stream.linear.scatter @!p0 [tilespmem:s5], [sflag:$0x1], $0x400, $0x38;
	[tilespmem:$0x400] =	vst v63  }
0x44: {  	_ =	swait.ge @!p0 [sflag:s3], $0x400  }
0x45: {  	[sflag:s3] =	ssyncset.done @!p0 $0x0  }
.LBB2_1:
0x46: {  	s4 =	sadd.s32 $0xFFFFFFFF, s4;
	[sflag:s3] =	ssyncadd.s32 @!p0 $0xFFFFFC00  }
0x47: {  	[tilespmem:$0x20] =	vst v0;
	p1 =	sne.s32 s4, $0x0  }
0x48: {  	[tilespmem:$0x30] =	vst v0  }
0x49: {  	[tilespmem:$0x0] =	vst v0  }
0x4a: {  	[tilespmem:$0x3F0] =	vst v0  }
0x4b: {  	[tilespmem:$0x3E0] =	vst v0  }
0x4c: {  	[tilespmem:$0x3D0] =	vst v0  }
0x4d: {  	[tilespmem:$0x3C0] =	vst v0  }
0x4e: {  	[tilespmem:$0x3B0] =	vst v0  }
0x4f: {  	[tilespmem:$0x3A0] =	vst v0  }
0x50: {  	[tilespmem:$0x390] =	vst v0  }
0x51: {  	[tilespmem:$0x380] =	vst v0  }
0x52: {  	[tilespmem:$0x370] =	vst v0  }
0x53: {  	[tilespmem:$0x360] =	vst v0  }
0x54: {  	[tilespmem:$0x350] =	vst v0  }
0x55: {  	[tilespmem:$0x340] =	vst v0  }
0x56: {  	[tilespmem:$0x330] =	vst v0  }
0x57: {  	[tilespmem:$0x320] =	vst v0  }
0x58: {  	[tilespmem:$0x310] =	vst v0  }
0x59: {  	[tilespmem:$0x300] =	vst v0  }
0x5a: {  	[tilespmem:$0x2F0] =	vst v0  }
0x5b: {  	[tilespmem:$0x2E0] =	vst v0  }
0x5c: {  	[tilespmem:$0x2D0] =	vst v0  }
0x5d: {  	[tilespmem:$0x2C0] =	vst v0  }
0x5e: {  	[tilespmem:$0x2B0] =	vst v0  }
0x5f: {  	[tilespmem:$0x2A0] =	vst v0  }
0x60: {  	[tilespmem:$0x290] =	vst v0  }
0x61: {  	[tilespmem:$0x280] =	vst v0  }
0x62: {  	[tilespmem:$0x270] =	vst v0  }
0x63: {  	[tilespmem:$0x260] =	vst v0  }
0x64: {  	[tilespmem:$0x250] =	vst v0  }
0x65: {  	[tilespmem:$0x240] =	vst v0  }
0x66: {  	[tilespmem:$0x230] =	vst v0  }
0x67: {  	[tilespmem:$0x220] =	vst v0  }
0x68: {  	[tilespmem:$0x210] =	vst v0  }
0x69: {  	[tilespmem:$0x200] =	vst v0  }
0x6a: {  	[tilespmem:$0x1F0] =	vst v0  }
0x6b: {  	[tilespmem:$0x1E0] =	vst v0  }
0x6c: {  	[tilespmem:$0x1D0] =	vst v0  }
0x6d: {  	[tilespmem:$0x1C0] =	vst v0  }
0x6e: {  	[tilespmem:$0x1B0] =	vst v0  }
0x6f: {  	[tilespmem:$0x1A0] =	vst v0  }
0x70: {  	[tilespmem:$0x190] =	vst v0  }
0x71: {  	[tilespmem:$0x180] =	vst v0  }
0x72: {  	[tilespmem:$0x170] =	vst v0  }
0x73: {  	[tilespmem:$0x160] =	vst v0  }
0x74: {  	[tilespmem:$0x150] =	vst v0  }
0x75: {  	[tilespmem:$0x140] =	vst v0  }
0x76: {  	[tilespmem:$0x130] =	vst v0  }
0x77: {  	[tilespmem:$0x120] =	vst v0  }
0x78: {  	[tilespmem:$0x110] =	vst v0  }
0x79: {  	[tilespmem:$0x100] =	vst v0  }
0x7a: {  	[tilespmem:$0xF0] =	vst v0  }
0x7b: {  	[tilespmem:$0xE0] =	vst v0  }
0x7c: {  	[tilespmem:$0xD0] =	vst v0  }
0x7d: {  	[tilespmem:$0xC0] =	vst v0  }
0x7e: {  	[tilespmem:$0xB0] =	vst v0  }
0x7f: {  	[tilespmem:$0xA0] =	vst v0  }
0x80: {  	[tilespmem:$0x90] =	vst v0  }
0x81: {  	[tilespmem:$0x80] =	vst v0  }
0x82: {  	[tilespmem:$0x70] =	vst v0  }
0x83: {  	[tilespmem:$0x60] =	vst v0  }
0x84: {  	[tilespmem:$0x50] =	vst v0  }
.Ltmp1:
0x85: {  	[tilespmem:$0x40] =	vst v0;
	(pc) =	sbr.rel @p1 .LBB2_1-.Ltmp1, $4  }
0x86: {  	[tilespmem:$0x10] =	vst v0  }
0x87: {  	[hbm4b:s2+s5] =	stream.linear.scatter @!p0 [tilespmem:s5], [sflag:$0x1], $0x400, $0x38;
	[tilespmem:$0x400] =	vst v63  }
0x88: {  	_ =	swait.ge @!p0 [sflag:s3], $0x400  }
0x89: {  	[sflag:s3] =	ssyncset.done @!p0 $0x0  }
.LBB2_2:
0x8a: {  	[sflag:s3] =	ssyncadd.s32 @!p0 $0xFFFFFC00  }
0x8b: {  	_ =	sfence.sel $0x180000  }
0x8c: {  	[bflag:$0x0] =	sbarrier.arrive $0xFFFF  }
0x8d: {  	p0 =	sne.s32 s1, $0x0;
	_ =	strace $0x90000047  }
0x8e: {  	s0 =	sadd.s32 @!p0 $0x100000, s0;
	[bflag:$0x2] =	sbarrier.arrive $0xFFFF  }
0x8f: {  	[sflag:s0] =	ssyncadd.tile.s32 @!p0 $0x1;
	_ =	shalt  }
.Lfunc_end2:
_tile_overlayer_lowered:
.L_overlay_start_2:
0x90: {  	(tag) =	ssettag $0x2  }
0x91: {  	s0 =	rddreg [dreg:$0x0];
	s2 =	stileid.u32  }
0x92: {  	s1 =	rddreg [dreg:$0x1];
	p0 =	sne.s32 s2, $0x0  }
0x93: {  	s3 =	rddreg [dreg:$0x2];
	[bflag:$0x3] =	sbarrier.arrive $0xFFFF;
	s2 =	simm.s32 @!p0 $0x1C01  }
0x94: {  	[timem:s3], [sflag:s2] =	dma.local @!p0 [hbm:s0], s1  }
0x95: {  	s0 =	simm.s32 @!p0 $0x1  }
0x96: {  	_ =	swait.ge @!p0 [sflag:s0], s1  }
0x97: {  	s1 =	ssub.s32 @!p0 $0x0, s1;
	[sflag:s0] =	ssyncset.done @!p0 $0x0  }
0x98: {  	[sflag:s0] =	ssyncadd.s32 @!p0 s1  }
0x99: {  	[bflag:$0x3] =	sbarrier.arrive $0xFFFF  }
0x9a: {  	_ =	shalt  }

</sc_bundles>
